<compile_context>
chip_gen: v7x
topology: tpu7x:2x2x1
jax: 0.10.2.dev20260603
libtpu: 0.0.44.dev20260713+nightly
codegen_flags: <defaults>
</compile_context>

<pallas_src>
import functools

import jax
import jax.numpy as jnp
from jax import lax
from jax.experimental import pallas as pl
from jax.experimental.pallas import tpu as pltpu
from jax.experimental.pallas import tpu_sc as plsc

NC = 2
NS = 16
C = 80
RPT = 624


def _sc_segment_sum(x, edge_attr, edge_index):
    N, D = x.shape
    E = edge_index.shape[1]
    NW = NC * NS
    assert E % (NW * C) == 0
    epw = E // NW
    iters = epw // C
    tail = N - RPT * NS
    assert 0 <= tail and tail % 8 == 0

    mesh = plsc.VectorSubcoreMesh(core_axis_name="c", subcore_axis_name="s")

    assert iters % 4 == 1

    ei_flat = edge_index.reshape(2 * E)

    @functools.partial(
        pl.kernel,
        mesh=mesh,
        out_type=jax.ShapeDtypeStruct((NC, N, D), jnp.float32),
        scratch_types=[
            pltpu.VMEM_SHARED((N, D), jnp.float32),
            pltpu.VMEM((2, C), jnp.int32),
            pltpu.VMEM((2, C), jnp.int32),
            pltpu.VMEM((2, C), jnp.int32),
            pltpu.VMEM((2, C), jnp.int32),
            pltpu.VMEM((C, D), jnp.float32),
            pltpu.VMEM((C, D), jnp.float32),
            pltpu.VMEM((C, D), jnp.float32),
            pltpu.VMEM((C, D), jnp.float32),
            pltpu.SemaphoreType.DMA,
            pltpu.SemaphoreType.DMA,
            pltpu.SemaphoreType.DMA,
            pltpu.SemaphoreType.DMA,
            pltpu.SemaphoreType.DMA,
            pltpu.SemaphoreType.DMA,
            pltpu.SemaphoreType.DMA,
            pltpu.SemaphoreType.DMA,
            pltpu.SemaphoreType.DMA,
            pltpu.SemaphoreType.DMA,
        ],
    )
    def k(x_hbm, ea_hbm, ei_hbm, out_hbm, h_sh, idx0, idx1, idx2, idx3,
          rows0, rows1, ea0, ea1, isem0, isem1, isem2, isem3,
          gsem0, gsem1, esem0, esem1, ssem0, ssem1):
        idx = (idx0, idx1, idx2, idx3)
        rows = (rows0, rows1)
        ea = (ea0, ea1)
        isem = (isem0, isem1, isem2, isem3)
        gsem = (gsem0, gsem1)
        esem = (esem0, esem1)
        ssem = (ssem0, ssem1)
        c = lax.axis_index("c")
        s = lax.axis_index("s")
        base = (c * NS + s) * epw
        row0 = s * RPT

        def fire_idx(i, q):
            e0 = base + i * C
            pltpu.async_copy(ei_hbm.at[pl.ds(e0, C)], idx[q].at[0], isem[q])
            pltpu.async_copy(ei_hbm.at[pl.ds(E + e0, C)], idx[q].at[1],
                             isem[q])

        def drain_idx(q):
            pltpu.make_async_copy(ei_hbm.at[pl.ds(0, C)], idx[q].at[0],
                                  isem[q]).wait()
            pltpu.make_async_copy(ei_hbm.at[pl.ds(0, C)], idx[q].at[1],
                                  isem[q]).wait()

        def fire_data(i, b, q):
            e0 = base + i * C
            pltpu.async_copy(x_hbm.at[idx[q].at[0]], rows[b], gsem[b])
            pltpu.async_copy(ea_hbm.at[pl.ds(e0, C)], ea[b], esem[b])

        def drain_data(b):
            pltpu.make_async_copy(ea_hbm.at[pl.ds(0, C)], rows[b],
                                  gsem[b]).wait()
            pltpu.make_async_copy(ea_hbm.at[pl.ds(0, C)], ea[b],
                                  esem[b]).wait()

        def fire_scatter(b, q):
            pltpu.async_copy(rows[b], h_sh.at[idx[q].at[1]], ssem[b],
                             add=True)
            pltpu.async_copy(ea[b], h_sh.at[idx[q].at[1]], ssem[b], add=True)

        def drain_scatter(b):
            pltpu.make_async_copy(ea_hbm.at[pl.ds(0, C)], rows[b],
                                  ssem[b]).wait()
            pltpu.make_async_copy(ea_hbm.at[pl.ds(0, C)], ea[b],
                                  ssem[b]).wait()

        fire_idx(0, 0)
        fire_idx(1, 1)

        def zfill(i, _):
            r = i // (D // 16)
            col = (i % (D // 16)) * 16
            rows1[r, pl.ds(col, 16)] = jnp.zeros((16,), jnp.float32)
            return 0
        lax.fori_loop(0, C * (D // 16), zfill, 0)

        drain_idx(0)
        fire_data(0, 0, 0)

        nzc = RPT // C
        def zcopy(j, _):
            pltpu.sync_copy(rows1, h_sh.at[pl.ds(row0 + j * C, C)])
            return 0
        lax.fori_loop(0, nzc, zcopy, 0)
        zrem = RPT - nzc * C
        if zrem:
            pltpu.sync_copy(rows1.at[pl.ds(0, zrem)],
                            h_sh.at[pl.ds(row0 + nzc * C, zrem)])
        if tail:
            @pl.when(s == NS - 1)
            def _():
                pltpu.sync_copy(rows1.at[pl.ds(0, tail)],
                                h_sh.at[pl.ds(NS * RPT, tail)])
        plsc.subcore_barrier()

        def quad(j, _):
            for u in range(4):
                b = u % 2
                i = 4 * j + u
                if u == 0:
                    @pl.when(j > 0)
                    def _():
                        drain_scatter(1 - b)
                else:
                    drain_scatter(1 - b)
                if u >= 2:
                    @pl.when(i + 2 < iters)
                    def _():
                        fire_idx(i + 2, (u + 2) % 4)
                else:
                    fire_idx(i + 2, (u + 2) % 4)
                drain_data(b)
                drain_idx((u + 1) % 4)
                fire_data(i + 1, 1 - b, (u + 1) % 4)
                fire_scatter(b, u)
            return 0
        lax.fori_loop(0, iters // 4, quad, 0)

        drain_scatter(1)
        drain_data(0)
        fire_scatter(0, 0)
        drain_scatter(0)
        plsc.subcore_barrier()

        pltpu.sync_copy(h_sh.at[pl.ds(row0, RPT)],
                        out_hbm.at[c, pl.ds(row0, RPT)])
        if tail:
            @pl.when(s == NS - 1)
            def _():
                pltpu.sync_copy(h_sh.at[pl.ds(NS * RPT, tail)],
                                out_hbm.at[c, pl.ds(NS * RPT, tail)])

    return k(x, edge_attr, ei_flat)


def _mlp_body(p_ref, w1_ref, b1_ref, w2_ref, b2_ref, out_ref):
    h = p_ref[0] + p_ref[1]
    h = jnp.dot(h, w1_ref[...], preferred_element_type=jnp.float32) + b1_ref[...]
    h = jnp.maximum(h, 0.0)
    out_ref[...] = (
        jnp.dot(h, w2_ref[...], preferred_element_type=jnp.float32) + b2_ref[...]
    )


def _mlp(partials, W1t, b1, W2t, b2):
    _, N, D = partials.shape
    D_out = W2t.shape[1]
    BN = 2000
    grid = (N // BN,)
    return pl.pallas_call(
        _mlp_body,
        grid=grid,
        in_specs=[
            pl.BlockSpec((NC, BN, D), lambda i: (0, i, 0)),
            pl.BlockSpec((D, W1t.shape[1]), lambda i: (0, 0)),
            pl.BlockSpec((1, W1t.shape[1]), lambda i: (0, 0)),
            pl.BlockSpec((W2t.shape[0], D_out), lambda i: (0, 0)),
            pl.BlockSpec((1, D_out), lambda i: (0, 0)),
        ],
        out_specs=pl.BlockSpec((BN, D_out), lambda i: (i, 0)),
        out_shape=jax.ShapeDtypeStruct((N, D_out), jnp.float32),
    )(partials, W1t, b1, W2t, b2)


def kernel(x, edge_attr, edge_index, W1, b1, W2, b2):
    partials = _sc_segment_sum(x, edge_attr, edge_index)
    return _mlp(partials, W1.T, b1.reshape(1, -1), W2.T, b2.reshape(1, -1))

# --- scband reference (transcript-rebuilt; emitter-appended) ---
"""Pipeline reference for scband-gnn-33784212750625 (READ-ONLY COPY).

The authoritative reference and input builder live on the scoring server;
editing this copy changes nothing except your own understanding.
"""

import jax, jax.numpy as jnp
import numpy as np

N = 10000
E = 320000
D_IN = 128
D_HID = 128
D_OUT = 128


def setup_inputs(seed: int = 0) -> dict:
    key = jax.random.key(seed)
    k1, k2, k3, k4, k5, k6, k7 = jax.random.split(key, 7)
    x = jax.random.normal(k1, (N, D_IN), dtype=jnp.float32)
    edge_attr = jax.random.normal(k2, (E, D_IN), dtype=jnp.float32)
    edge_index = jax.random.randint(k3, (2, E), 0, N, dtype=jnp.int32)
    s1 = 1.0 / np.sqrt(D_IN)
    W1 = jax.random.uniform(k4, (D_HID, D_IN), minval=-s1, maxval=s1, dtype=jnp.float32)
    b1 = jax.random.uniform(k5, (D_HID,), minval=-s1, maxval=s1, dtype=jnp.float32)
    s2 = 1.0 / np.sqrt(D_HID)
    W2 = jax.random.uniform(k6, (D_OUT, D_HID), minval=-s2, maxval=s2, dtype=jnp.float32)
    b2 = jax.random.uniform(k7, (D_OUT,), minval=-s2, maxval=s2, dtype=jnp.float32)
    return {"x": x, "edge_attr": edge_attr, "edge_index": edge_index,
            "W1": W1, "b1": b1, "W2": W2, "b2": b2}


def reference(x, edge_attr, edge_index, W1, b1, W2, b2):
    # DGL update_all with u_add_e('h','h','m') then sum reduce:
    # message on edge e=(u->v): m_e = x[u] + edge_attr[e]
    # h[v] = sum over incoming edges of m_e
    src = edge_index[0]
    dst = edge_index[1]
    m = jnp.take(x, src, axis=0) + edge_attr  # gather + add, [E, D_IN]
    h = jax.ops.segment_sum(m, dst, num_segments=N)  # scatter-add, [N, D_IN]
    h = jax.nn.relu(h @ W1.T + b1)
    out = h @ W2.T + b2
    return out

if __name__ == "__main__":
    import jax
    _d = setup_inputs()
    print(jax.jit(kernel)(*tuple(_d.values())))

</pallas_src>

<mosaic_0001>
#map = affine_map<(d0, d1) -> (0, 0)>
#map1 = affine_map<(d0, d1) -> (0)>
#map2 = affine_map<(d0, d1) -> (0, 0, 0)>
module attributes {stable_mosaic.version = 14 : i64} {
  func.func @k(%arg0: i32, %arg1: i32, %arg2: memref<10000x128xf32, #tpu.memory_space<hbm>>, %arg3: memref<320000x128xf32, #tpu.memory_space<hbm>>, %arg4: memref<640000xi32, #tpu.memory_space<hbm>>, %arg5: memref<2x10000x128xf32, #tpu.memory_space<hbm>>, %arg6: memref<10000x128xf32, #tpu.memory_space<vmem_shared>>, %arg7: memref<2x80xi32, #tpu.memory_space<vmem>>, %arg8: memref<2x80xi32, #tpu.memory_space<vmem>>, %arg9: memref<2x80xi32, #tpu.memory_space<vmem>>, %arg10: memref<2x80xi32, #tpu.memory_space<vmem>>, %arg11: memref<80x128xf32, #tpu.memory_space<vmem>>, %arg12: memref<80x128xf32, #tpu.memory_space<vmem>>, %arg13: memref<80x128xf32, #tpu.memory_space<vmem>>, %arg14: memref<80x128xf32, #tpu.memory_space<vmem>>, %arg15: memref<!tpu.dma_semaphore, #tpu.memory_space<semaphore_mem>>, %arg16: memref<!tpu.dma_semaphore, #tpu.memory_space<semaphore_mem>>, %arg17: memref<!tpu.dma_semaphore, #tpu.memory_space<semaphore_mem>>, %arg18: memref<!tpu.dma_semaphore, #tpu.memory_space<semaphore_mem>>, %arg19: memref<!tpu.dma_semaphore, #tpu.memory_space<semaphore_mem>>, %arg20: memref<!tpu.dma_semaphore, #tpu.memory_space<semaphore_mem>>, %arg21: memref<!tpu.dma_semaphore, #tpu.memory_space<semaphore_mem>>, %arg22: memref<!tpu.dma_semaphore, #tpu.memory_space<semaphore_mem>>, %arg23: memref<!tpu.dma_semaphore, #tpu.memory_space<semaphore_mem>>, %arg24: memref<!tpu.dma_semaphore, #tpu.memory_space<semaphore_mem>>) attributes {dimension_semantics = [#tpu.dimension_semantics<core_parallel>, #tpu.dimension_semantics<subcore_parallel>], iteration_bounds = array<i64: 2, 16>, scalar_prefetch = 0 : i64, scratch_operands = 19 : i64, tpu.core_type = #tpu.core_type<sc_vector_subcore>, window_params = [{transform_indices = #map}, {transform_indices = #map}, {transform_indices = #map1}, {transform_indices = #map2}]} {
    %mul3A = arith.constant 16 : i32
    %mul3A_0 = arith.muli %arg0, %mul3A : i32
    %add3A = arith.addi %mul3A_0, %arg1 : i32
    %mul3A_1 = arith.constant 10000 : i32
    %mul3A_2 = arith.muli %add3A, %mul3A_1 : i32
    %mul3A_3 = arith.constant 624 : i32
    %mul3A_4 = arith.muli %arg1, %mul3A_3 : i32
    %add3A_5 = arith.constant 0 : i32
    %add3A_6 = arith.addi %mul3A_2, %add3A_5 : i32
    %dma_start3A = arith.constant 0 : i32
    %dma_start3A_7 = arith.constant 0 : i32
    %dma_start3A_8 = tpu.memref_slice %arg7[%dma_start3A, %dma_start3A_7] : memref<2x80xi32, #tpu.memory_space<vmem>> -> memref<1x80xi32, #tpu.memory_space<vmem>>
    %dma_start3A_9 = tpu.memref_squeeze %dma_start3A_8 : memref<1x80xi32, #tpu.memory_space<vmem>> -> memref<80xi32, #tpu.memory_space<vmem>>
    %dma_start3A_10 = tpu.memref_slice %arg4[%add3A_6] : memref<640000xi32, #tpu.memory_space<hbm>> -> memref<80xi32, #tpu.memory_space<hbm>>
    %dma_start3A_11 = arith.constant 0 : i32
    %dma_start3A_12 = tpu.memref_slice %arg7[%dma_start3A, %dma_start3A_11] : memref<2x80xi32, #tpu.memory_space<vmem>> -> memref<1x80xi32, #tpu.memory_space<vmem>>
    %dma_start3A_13 = tpu.memref_squeeze %dma_start3A_12 : memref<1x80xi32, #tpu.memory_space<vmem>> -> memref<80xi32, #tpu.memory_space<vmem>>
    %dma_start3A_14 = tpu.memref_slice %arg4[%add3A_6] : memref<640000xi32, #tpu.memory_space<hbm>> -> memref<80xi32, #tpu.memory_space<hbm>>
    tpu.enqueue_dma source(%dma_start3A_14 : memref<80xi32, #tpu.memory_space<hbm>>) target(%dma_start3A_13 : memref<80xi32, #tpu.memory_space<vmem>>) target_semaphore(%arg15 : memref<!tpu.dma_semaphore, #tpu.memory_space<semaphore_mem>>)
    %add3A_15 = arith.constant 320000 : i32
    %add3A_16 = arith.addi %add3A_15, %add3A_6 : i32
    %dma_start3A_17 = arith.constant 1 : i32
    %dma_start3A_18 = arith.constant 0 : i32
    %dma_start3A_19 = tpu.memref_slice %arg7[%dma_start3A_17, %dma_start3A_18] : memref<2x80xi32, #tpu.memory_space<vmem>> -> memref<1x80xi32, #tpu.memory_space<vmem>>
    %dma_start3A_20 = tpu.memref_squeeze %dma_start3A_19 : memref<1x80xi32, #tpu.memory_space<vmem>> -> memref<80xi32, #tpu.memory_space<vmem>>
    %dma_start3A_21 = tpu.memref_slice %arg4[%add3A_16] : memref<640000xi32, #tpu.memory_space<hbm>> -> memref<80xi32, #tpu.memory_space<hbm>>
    %dma_start3A_22 = arith.constant 0 : i32
    %dma_start3A_23 = tpu.memref_slice %arg7[%dma_start3A_17, %dma_start3A_22] : memref<2x80xi32, #tpu.memory_space<vmem>> -> memref<1x80xi32, #tpu.memory_space<vmem>>
    %dma_start3A_24 = tpu.memref_squeeze %dma_start3A_23 : memref<1x80xi32, #tpu.memory_space<vmem>> -> memref<80xi32, #tpu.memory_space<vmem>>
    %dma_start3A_25 = tpu.memref_slice %arg4[%add3A_16] : memref<640000xi32, #tpu.memory_space<hbm>> -> memref<80xi32, #tpu.memory_space<hbm>>
    tpu.enqueue_dma source(%dma_start3A_25 : memref<80xi32, #tpu.memory_space<hbm>>) target(%dma_start3A_24 : memref<80xi32, #tpu.memory_space<vmem>>) target_semaphore(%arg15 : memref<!tpu.dma_semaphore, #tpu.memory_space<semaphore_mem>>)
    %add3A_26 = arith.constant 80 : i32
    %add3A_27 = arith.addi %mul3A_2, %add3A_26 : i32
    %dma_start3A_28 = arith.constant 0 : i32
    %dma_start3A_29 = arith.constant 0 : i32
    %dma_start3A_30 = tpu.memref_slice %arg8[%dma_start3A_28, %dma_start3A_29] : memref<2x80xi32, #tpu.memory_space<vmem>> -> memref<1x80xi32, #tpu.memory_space<vmem>>
    %dma_start3A_31 = tpu.memref_squeeze %dma_start3A_30 : memref<1x80xi32, #tpu.memory_space<vmem>> -> memref<80xi32, #tpu.memory_space<vmem>>
    %dma_start3A_32 = tpu.memref_slice %arg4[%add3A_27] : memref<640000xi32, #tpu.memory_space<hbm>> -> memref<80xi32, #tpu.memory_space<hbm>>
    %dma_start3A_33 = arith.constant 0 : i32
    %dma_start3A_34 = tpu.memref_slice %arg8[%dma_start3A_28, %dma_start3A_33] : memref<2x80xi32, #tpu.memory_space<vmem>> -> memref<1x80xi32, #tpu.memory_space<vmem>>
    %dma_start3A_35 = tpu.memref_squeeze %dma_start3A_34 : memref<1x80xi32, #tpu.memory_space<vmem>> -> memref<80xi32, #tpu.memory_space<vmem>>
    %dma_start3A_36 = tpu.memref_slice %arg4[%add3A_27] : memref<640000xi32, #tpu.memory_space<hbm>> -> memref<80xi32, #tpu.memory_space<hbm>>
    tpu.enqueue_dma source(%dma_start3A_36 : memref<80xi32, #tpu.memory_space<hbm>>) target(%dma_start3A_35 : memref<80xi32, #tpu.memory_space<vmem>>) target_semaphore(%arg16 : memref<!tpu.dma_semaphore, #tpu.memory_space<semaphore_mem>>)
    %add3A_37 = arith.constant 320000 : i32
    %add3A_38 = arith.addi %add3A_37, %add3A_27 : i32
    %dma_start3A_39 = arith.constant 1 : i32
    %dma_start3A_40 = arith.constant 0 : i32
    %dma_start3A_41 = tpu.memref_slice %arg8[%dma_start3A_39, %dma_start3A_40] : memref<2x80xi32, #tpu.memory_space<vmem>> -> memref<1x80xi32, #tpu.memory_space<vmem>>
    %dma_start3A_42 = tpu.memref_squeeze %dma_start3A_41 : memref<1x80xi32, #tpu.memory_space<vmem>> -> memref<80xi32, #tpu.memory_space<vmem>>
    %dma_start3A_43 = tpu.memref_slice %arg4[%add3A_38] : memref<640000xi32, #tpu.memory_space<hbm>> -> memref<80xi32, #tpu.memory_space<hbm>>
    %dma_start3A_44 = arith.constant 0 : i32
    %dma_start3A_45 = tpu.memref_slice %arg8[%dma_start3A_39, %dma_start3A_44] : memref<2x80xi32, #tpu.memory_space<vmem>> -> memref<1x80xi32, #tpu.memory_space<vmem>>
    %dma_start3A_46 = tpu.memref_squeeze %dma_start3A_45 : memref<1x80xi32, #tpu.memory_space<vmem>> -> memref<80xi32, #tpu.memory_space<vmem>>
    %dma_start3A_47 = tpu.memref_slice %arg4[%add3A_38] : memref<640000xi32, #tpu.memory_space<hbm>> -> memref<80xi32, #tpu.memory_space<hbm>>
    tpu.enqueue_dma source(%dma_start3A_47 : memref<80xi32, #tpu.memory_space<hbm>>) target(%dma_start3A_46 : memref<80xi32, #tpu.memory_space<vmem>>) target_semaphore(%arg16 : memref<!tpu.dma_semaphore, #tpu.memory_space<semaphore_mem>>)
    %scan3A = arith.constant 0 : i32
    %scan3A_48 = arith.constant 0 : i32
    %scan3A_49 = arith.constant 640 : i32
    %scan3A_50 = arith.addi %scan3A_48, %scan3A_49 : i32
    %scan3A_51 = arith.constant 1 : i32
    %scan3A_52 = scf.for %scan3A_162 = %scan3A_48 to %scan3A_50 step %scan3A_51 iter_args(%scan3A_163 = %scan3A) -> (i32)  : i32 {
      %jit3A = arith.constant 8 : i32
      %div3A = arith.divsi %scan3A_162, %jit3A : i32
      %sign3A = arith.constant 0 : i32
      %sign3A_164 = arith.cmpi sgt, %scan3A_162, %sign3A : i32
      %sign3A_165 = arith.extui %sign3A_164 : i1 to i32
      %sign3A_166 = arith.constant 0 : i32
      %sign3A_167 = arith.cmpi slt, %scan3A_162, %sign3A_166 : i32
      %sign3A_168 = arith.extui %sign3A_167 : i1 to i32
      %sign3A_169 = arith.subi %sign3A_165, %sign3A_168 : i32
      %sign3A_170 = arith.constant 0 : i32
      %sign3A_171 = arith.cmpi sgt, %jit3A, %sign3A_170 : i32
      %sign3A_172 = arith.extui %sign3A_171 : i1 to i32
      %sign3A_173 = arith.constant 0 : i32
      %sign3A_174 = arith.cmpi slt, %jit3A, %sign3A_173 : i32
      %sign3A_175 = arith.extui %sign3A_174 : i1 to i32
      %sign3A_176 = arith.subi %sign3A_172, %sign3A_175 : i32
      %ne3A = arith.cmpi ne, %sign3A_169, %sign3A_176 : i32
      %rem3A = arith.remsi %scan3A_162, %jit3A : i32
      %ne3A_177 = arith.constant 0 : i32
      %ne3A_178 = arith.cmpi ne, %rem3A, %ne3A_177 : i32
      %and3A = arith.andi %ne3A, %ne3A_178 : i1
      %sub3A = arith.constant 1 : i32
      %sub3A_179 = arith.subi %div3A, %sub3A : i32
      %select_n3A = arith.select %and3A, %sub3A_179, %div3A : i32
      %jit3A_180 = arith.constant 8 : i32
      %eq3A_181 = arith.constant 0 : i32
      %eq3A_182 = arith.cmpi eq, %jit3A_180, %eq3A_181 : i32
      %jit3A_183 = arith.constant 1 : i32
      %select_n3A_184 = arith.select %eq3A_182, %jit3A_183, %jit3A_180 : i32
      %rem3A_185 = arith.remsi %scan3A_162, %select_n3A_184 : i32
      %ne3A_186 = arith.constant 0 : i32
      %ne3A_187 = arith.cmpi ne, %rem3A_185, %ne3A_186 : i32
      %lt3A = arith.constant 0 : i32
      %lt3A_188 = arith.cmpi slt, %rem3A_185, %lt3A : i32
      %lt3A_189 = arith.constant 0 : i32
      %lt3A_190 = arith.cmpi slt, %select_n3A_184, %lt3A_189 : i32
      %ne3A_191 = arith.xori %lt3A_188, %lt3A_190 : i1
      %and3A_192 = arith.andi %ne3A_191, %ne3A_187 : i1
      %add3A_193 = arith.addi %rem3A_185, %select_n3A_184 : i32
      %select_n3A_194 = arith.select %and3A_192, %add3A_193, %rem3A_185 : i32
      %mul3A_195 = arith.constant 16 : i32
      %mul3A_196 = arith.muli %select_n3A_194, %mul3A_195 : i32
      %broadcast_in_dim3A = arith.constant 0.000000e+00 : f32
      %broadcast_in_dim3A_197 = vector.broadcast %broadcast_in_dim3A : f32 to vector<16xf32>
      %swap3A = arith.index_cast %select_n3A : i32 to index
      %swap3A_198 = arith.index_cast %mul3A_196 : i32 to index
      %swap3A_199 = tpu.vector_load %arg12[%swap3A, %swap3A_198] {strides = array<i32>} : memref<80x128xf32, #tpu.memory_space<vmem>>, vector<1x16xf32>,
      %swap3A_200 = vector.shape_cast %swap3A_199 : vector<1x16xf32> to vector<16xf32>
      %swap3A_201 = vector.shape_cast %broadcast_in_dim3A_197 : vector<16xf32> to vector<1x16xf32>
      tpu.vector_store %arg12[%swap3A, %swap3A_198], %swap3A_201 {strides = array<i32>} : memref<80x128xf32, #tpu.memory_space<vmem>>, vector<1x16xf32>,
      %scan3A_202 = arith.constant 0 : i32
      scf.yield %scan3A_202 : i32
    }
    %scan3A_53 = arith.constant 640 : i32
    %dma_wait3A = arith.constant 0 : i32
    %dma_wait3A_54 = arith.constant 0 : i32
    %dma_wait3A_55 = tpu.memref_slice %arg7[%dma_wait3A, %dma_wait3A_54] : memref<2x80xi32, #tpu.memory_space<vmem>> -> memref<1x80xi32, #tpu.memory_space<vmem>>
    %dma_wait3A_56 = tpu.memref_squeeze %dma_wait3A_55 : memref<1x80xi32, #tpu.memory_space<vmem>> -> memref<80xi32, #tpu.memory_space<vmem>>
    %dma_wait3A_57 = arith.constant 0 : i32
    %dma_wait3A_58 = tpu.memref_slice %arg4[%dma_wait3A_57] : memref<640000xi32, #tpu.memory_space<hbm>> -> memref<80xi32, #tpu.memory_space<hbm>>
    %dma_wait3A_59 = arith.constant 0 : i32
    %dma_wait3A_60 = tpu.memref_slice %arg7[%dma_wait3A, %dma_wait3A_59] : memref<2x80xi32, #tpu.memory_space<vmem>> -> memref<1x80xi32, #tpu.memory_space<vmem>>
    %dma_wait3A_61 = tpu.memref_squeeze %dma_wait3A_60 : memref<1x80xi32, #tpu.memory_space<vmem>> -> memref<80xi32, #tpu.memory_space<vmem>>
    %dma_wait3A_62 = arith.constant 0 : i32
    %dma_wait3A_63 = tpu.memref_slice %arg4[%dma_wait3A_62] : memref<640000xi32, #tpu.memory_space<hbm>> -> memref<80xi32, #tpu.memory_space<hbm>>
    tpu.wait_dma2 semaphore(%arg15 : memref<!tpu.dma_semaphore, #tpu.memory_space<semaphore_mem>>) src(%dma_wait3A_63 : memref<80xi32, #tpu.memory_space<hbm>>) dst(%dma_wait3A_61 : memref<80xi32, #tpu.memory_space<vmem>>)
    %dma_wait3A_64 = arith.constant 1 : i32
    %dma_wait3A_65 = arith.constant 0 : i32
    %dma_wait3A_66 = tpu.memref_slice %arg7[%dma_wait3A_64, %dma_wait3A_65] : memref<2x80xi32, #tpu.memory_space<vmem>> -> memref<1x80xi32, #tpu.memory_space<vmem>>
    %dma_wait3A_67 = tpu.memref_squeeze %dma_wait3A_66 : memref<1x80xi32, #tpu.memory_space<vmem>> -> memref<80xi32, #tpu.memory_space<vmem>>
    %dma_wait3A_68 = arith.constant 0 : i32
    %dma_wait3A_69 = tpu.memref_slice %arg4[%dma_wait3A_68] : memref<640000xi32, #tpu.memory_space<hbm>> -> memref<80xi32, #tpu.memory_space<hbm>>
    %dma_wait3A_70 = arith.constant 0 : i32
    %dma_wait3A_71 = tpu.memref_slice %arg7[%dma_wait3A_64, %dma_wait3A_70] : memref<2x80xi32, #tpu.memory_space<vmem>> -> memref<1x80xi32, #tpu.memory_space<vmem>>
    %dma_wait3A_72 = tpu.memref_squeeze %dma_wait3A_71 : memref<1x80xi32, #tpu.memory_space<vmem>> -> memref<80xi32, #tpu.memory_space<vmem>>
    %dma_wait3A_73 = arith.constant 0 : i32
    %dma_wait3A_74 = tpu.memref_slice %arg4[%dma_wait3A_73] : memref<640000xi32, #tpu.memory_space<hbm>> -> memref<80xi32, #tpu.memory_space<hbm>>
    tpu.wait_dma2 semaphore(%arg15 : memref<!tpu.dma_semaphore, #tpu.memory_space<semaphore_mem>>) src(%dma_wait3A_74 : memref<80xi32, #tpu.memory_space<hbm>>) dst(%dma_wait3A_72 : memref<80xi32, #tpu.memory_space<vmem>>)
    %add3A_75 = arith.constant 0 : i32
    %add3A_76 = arith.addi %mul3A_2, %add3A_75 : i32
    %dma_start3A_77 = arith.constant 0 : i32
    %dma_start3A_78 = arith.constant 0 : i32
    %dma_start3A_79 = tpu.memref_slice %arg7[%dma_start3A_77, %dma_start3A_78] : memref<2x80xi32, #tpu.memory_space<vmem>> -> memref<1x80xi32, #tpu.memory_space<vmem>>
    %dma_start3A_80 = tpu.memref_squeeze %dma_start3A_79 : memref<1x80xi32, #tpu.memory_space<vmem>> -> memref<80xi32, #tpu.memory_space<vmem>>
    %dma_start3A_81 = arith.constant 0 : i32
    %dma_start3A_82 = arith.constant 0 : i32
    %dma_start3A_83 = tpu.memref_slice %arg2[%dma_start3A_81, %dma_start3A_82] : memref<10000x128xf32, #tpu.memory_space<hbm>> -> memref<10000x128xf32, #tpu.memory_space<hbm>>
    tpu.enqueue_indirect_dma source(%dma_start3A_83 : memref<10000x128xf32, #tpu.memory_space<hbm>>) target(%arg11 : memref<80x128xf32, #tpu.memory_space<vmem>>) offsets(%dma_start3A_80 : memref<80xi32, #tpu.memory_space<vmem>>) semaphore(%arg19 : memref<!tpu.dma_semaphore, #tpu.memory_space<semaphore_mem>>)
    %dma_start3A_84 = arith.constant 0 : i32
    %dma_start3A_85 = tpu.memref_slice %arg3[%add3A_76, %dma_start3A_84] : memref<320000x128xf32, #tpu.memory_space<hbm>> -> memref<80x128xf32, #tpu.memory_space<hbm>>
    %dma_start3A_86 = arith.constant 0 : i32
    %dma_start3A_87 = tpu.memref_slice %arg3[%add3A_76, %dma_start3A_86] : memref<320000x128xf32, #tpu.memory_space<hbm>> -> memref<80x128xf32, #tpu.memory_space<hbm>>
    tpu.enqueue_dma source(%dma_start3A_87 : memref<80x128xf32, #tpu.memory_space<hbm>>) target(%arg13 : memref<80x128xf32, #tpu.memory_space<vmem>>) target_semaphore(%arg21 : memref<!tpu.dma_semaphore, #tpu.memory_space<semaphore_mem>>)
    %scan3A_88 = arith.constant 0 : i32
    %scan3A_89 = arith.constant 0 : i32
    %scan3A_90 = arith.constant 7 : i32
    %scan3A_91 = arith.addi %scan3A_89, %scan3A_90 : i32
    %scan3A_92 = arith.constant 1 : i32
    %scan3A_93 = scf.for %scan3A_162 = %scan3A_89 to %scan3A_91 step %scan3A_92 iter_args(%scan3A_163 = %scan3A_88) -> (i32)  : i32 {
      %mul3A_164 = arith.constant 80 : i32
      %mul3A_165 = arith.muli %scan3A_162, %mul3A_164 : i32
      %add3A_166 = arith.addi %mul3A_4, %mul3A_165 : i32
      "tpu.region"() ({
        %run_scoped3A = tpu.sem_alloc : memref<!tpu.dma_semaphore, #tpu.memory_space<semaphore_mem>>
        %dma_start3A_168 = arith.constant 0 : i32
        %dma_start3A_169 = tpu.memref_slice %arg6[%add3A_166, %dma_start3A_168] : memref<10000x128xf32, #tpu.memory_space<vmem_shared>> -> memref<80x128xf32, #tpu.memory_space<vmem_shared>>
        %dma_start3A_170 = arith.constant 0 : i32
        %dma_start3A_171 = tpu.memref_slice %arg6[%add3A_166, %dma_start3A_170] : memref<10000x128xf32, #tpu.memory_space<vmem_shared>> -> memref<80x128xf32, #tpu.memory_space<vmem_shared>>
        tpu.enqueue_dma source(%arg12 : memref<80x128xf32, #tpu.memory_space<vmem>>) target(%dma_start3A_171 : memref<80x128xf32, #tpu.memory_space<vmem_shared>>) target_semaphore(%run_scoped3A : memref<!tpu.dma_semaphore, #tpu.memory_space<semaphore_mem>>)
        %dma_wait3A_172 = arith.constant 0 : i32
        %dma_wait3A_173 = tpu.memref_slice %arg6[%add3A_166, %dma_wait3A_172] : memref<10000x128xf32, #tpu.memory_space<vmem_shared>> -> memref<80x128xf32, #tpu.memory_space<vmem_shared>>
        %dma_wait3A_174 = arith.constant 0 : i32
        %dma_wait3A_175 = tpu.memref_slice %arg6[%add3A_166, %dma_wait3A_174] : memref<10000x128xf32, #tpu.memory_space<vmem_shared>> -> memref<80x128xf32, #tpu.memory_space<vmem_shared>>
        tpu.wait_dma2 semaphore(%run_scoped3A : memref<!tpu.dma_semaphore, #tpu.memory_space<semaphore_mem>>) src(%arg12 : memref<80x128xf32, #tpu.memory_space<vmem>>) dst(%dma_wait3A_175 : memref<80x128xf32, #tpu.memory_space<vmem_shared>>)
        tpu.yield
      }) : () -> ()
      %scan3A_167 = arith.constant 0 : i32
      scf.yield %scan3A_167 : i32
    }
    %scan3A_94 = arith.constant 7 : i32
    %add3A_95 = arith.constant 560 : i32
    %add3A_96 = arith.addi %mul3A_4, %add3A_95 : i32
    "tpu.region"() ({
      %run_scoped3A = tpu.sem_alloc : memref<!tpu.dma_semaphore, #tpu.memory_space<semaphore_mem>>
      %dma_start3A_162 = arith.constant 0 : i32
      %dma_start3A_163 = arith.constant 0 : i32
      %dma_start3A_164 = tpu.memref_slice %arg12[%dma_start3A_162, %dma_start3A_163] : memref<80x128xf32, #tpu.memory_space<vmem>> -> memref<64x128xf32, #tpu.memory_space<vmem>>
      %dma_start3A_165 = arith.constant 0 : i32
      %dma_start3A_166 = tpu.memref_slice %arg6[%add3A_96, %dma_start3A_165] : memref<10000x128xf32, #tpu.memory_space<vmem_shared>> -> memref<64x128xf32, #tpu.memory_space<vmem_shared>>
      %dma_start3A_167 = arith.constant 0 : i32
      %dma_start3A_168 = tpu.memref_slice %arg6[%add3A_96, %dma_start3A_167] : memref<10000x128xf32, #tpu.memory_space<vmem_shared>> -> memref<64x128xf32, #tpu.memory_space<vmem_shared>>
      %dma_start3A_169 = arith.constant 0 : i32
      %dma_start3A_170 = arith.constant 0 : i32
      %dma_start3A_171 = tpu.memref_slice %arg12[%dma_start3A_169, %dma_start3A_170] : memref<80x128xf32, #tpu.memory_space<vmem>> -> memref<64x128xf32, #tpu.memory_space<vmem>>
      tpu.enqueue_dma source(%dma_start3A_171 : memref<64x128xf32, #tpu.memory_space<vmem>>) target(%dma_start3A_168 : memref<64x128xf32, #tpu.memory_space<vmem_shared>>) target_semaphore(%run_scoped3A : memref<!tpu.dma_semaphore, #tpu.memory_space<semaphore_mem>>)
      %dma_wait3A_172 = arith.constant 0 : i32
      %dma_wait3A_173 = arith.constant 0 : i32
      %dma_wait3A_174 = tpu.memref_slice %arg12[%dma_wait3A_172, %dma_wait3A_173] : memref<80x128xf32, #tpu.memory_space<vmem>> -> memref<64x128xf32, #tpu.memory_space<vmem>>
      %dma_wait3A_175 = arith.constant 0 : i32
      %dma_wait3A_176 = tpu.memref_slice %arg6[%add3A_96, %dma_wait3A_175] : memref<10000x128xf32, #tpu.memory_space<vmem_shared>> -> memref<64x128xf32, #tpu.memory_space<vmem_shared>>
      %dma_wait3A_177 = arith.constant 0 : i32
      %dma_wait3A_178 = tpu.memref_slice %arg6[%add3A_96, %dma_wait3A_177] : memref<10000x128xf32, #tpu.memory_space<vmem_shared>> -> memref<64x128xf32, #tpu.memory_space<vmem_shared>>
      %dma_wait3A_179 = arith.constant 0 : i32
      %dma_wait3A_180 = arith.constant 0 : i32
      %dma_wait3A_181 = tpu.memref_slice %arg12[%dma_wait3A_179, %dma_wait3A_180] : memref<80x128xf32, #tpu.memory_space<vmem>> -> memref<64x128xf32, #tpu.memory_space<vmem>>
      tpu.wait_dma2 semaphore(%run_scoped3A : memref<!tpu.dma_semaphore, #tpu.memory_space<semaphore_mem>>) src(%dma_wait3A_181 : memref<64x128xf32, #tpu.memory_space<vmem>>) dst(%dma_wait3A_178 : memref<64x128xf32, #tpu.memory_space<vmem_shared>>)
      tpu.yield
    }) : () -> ()
    %eq3A = arith.constant 15 : i32
    %eq3A_97 = arith.cmpi eq, %arg1, %eq3A : i32
    %convert_element_type3A = arith.extui %eq3A_97 : i1 to i32
    %cond3A = arith.constant 0 : i32
    %cond3A_98 = arith.cmpi ne, %convert_element_type3A, %cond3A : i32
    scf.if %cond3A_98 {
      "tpu.region"() ({
        %run_scoped3A = tpu.sem_alloc : memref<!tpu.dma_semaphore, #tpu.memory_space<semaphore_mem>>
        %dma_start3A_162 = arith.constant 0 : i32
        %dma_start3A_163 = arith.constant 0 : i32
        %dma_start3A_164 = tpu.memref_slice %arg12[%dma_start3A_162, %dma_start3A_163] : memref<80x128xf32, #tpu.memory_space<vmem>> -> memref<16x128xf32, #tpu.memory_space<vmem>>
        %dma_start3A_165 = arith.constant 9984 : i32
        %dma_start3A_166 = arith.constant 0 : i32
        %dma_start3A_167 = tpu.memref_slice %arg6[%dma_start3A_165, %dma_start3A_166] : memref<10000x128xf32, #tpu.memory_space<vmem_shared>> -> memref<16x128xf32, #tpu.memory_space<vmem_shared>>
        %dma_start3A_168 = arith.constant 9984 : i32
        %dma_start3A_169 = arith.constant 0 : i32
        %dma_start3A_170 = tpu.memref_slice %arg6[%dma_start3A_168, %dma_start3A_169] : memref<10000x128xf32, #tpu.memory_space<vmem_shared>> -> memref<16x128xf32, #tpu.memory_space<vmem_shared>>
        %dma_start3A_171 = arith.constant 0 : i32
        %dma_start3A_172 = arith.constant 0 : i32
        %dma_start3A_173 = tpu.memref_slice %arg12[%dma_start3A_171, %dma_start3A_172] : memref<80x128xf32, #tpu.memory_space<vmem>> -> memref<16x128xf32, #tpu.memory_space<vmem>>
        tpu.enqueue_dma source(%dma_start3A_173 : memref<16x128xf32, #tpu.memory_space<vmem>>) target(%dma_start3A_170 : memref<16x128xf32, #tpu.memory_space<vmem_shared>>) target_semaphore(%run_scoped3A : memref<!tpu.dma_semaphore, #tpu.memory_space<semaphore_mem>>)
        %dma_wait3A_174 = arith.constant 0 : i32
        %dma_wait3A_175 = arith.constant 0 : i32
        %dma_wait3A_176 = tpu.memref_slice %arg12[%dma_wait3A_174, %dma_wait3A_175] : memref<80x128xf32, #tpu.memory_space<vmem>> -> memref<16x128xf32, #tpu.memory_space<vmem>>
        %dma_wait3A_177 = arith.constant 9984 : i32
        %dma_wait3A_178 = arith.constant 0 : i32
        %dma_wait3A_179 = tpu.memref_slice %arg6[%dma_wait3A_177, %dma_wait3A_178] : memref<10000x128xf32, #tpu.memory_space<vmem_shared>> -> memref<16x128xf32, #tpu.memory_space<vmem_shared>>
        %dma_wait3A_180 = arith.constant 9984 : i32
        %dma_wait3A_181 = arith.constant 0 : i32
        %dma_wait3A_182 = tpu.memref_slice %arg6[%dma_wait3A_180, %dma_wait3A_181] : memref<10000x128xf32, #tpu.memory_space<vmem_shared>> -> memref<16x128xf32, #tpu.memory_space<vmem_shared>>
        %dma_wait3A_183 = arith.constant 0 : i32
        %dma_wait3A_184 = arith.constant 0 : i32
        %dma_wait3A_185 = tpu.memref_slice %arg12[%dma_wait3A_183, %dma_wait3A_184] : memref<80x128xf32, #tpu.memory_space<vmem>> -> memref<16x128xf32, #tpu.memory_space<vmem>>
        tpu.wait_dma2 semaphore(%run_scoped3A : memref<!tpu.dma_semaphore, #tpu.memory_space<semaphore_mem>>) src(%dma_wait3A_185 : memref<16x128xf32, #tpu.memory_space<vmem>>) dst(%dma_wait3A_182 : memref<16x128xf32, #tpu.memory_space<vmem_shared>>)
        tpu.yield
      }) : () -> ()
    } else {
    }
    %barrier3A = arith.constant 0 : index
    tpu.barrier barrier_id(%barrier3A)
    %scan3A_99 = arith.constant 0 : i32
    %scan3A_100 = arith.constant 0 : i32
    %scan3A_101 = arith.constant 31 : i32
    %scan3A_102 = arith.addi %scan3A_100, %scan3A_101 : i32
    %scan3A_103 = arith.constant 1 : i32
    %scan3A_104 = scf.for %scan3A_162 = %scan3A_100 to %scan3A_102 step %scan3A_103 iter_args(%scan3A_163 = %scan3A_99) -> (i32)  : i32 {
      %mul3A_164 = arith.constant 4 : i32
      %mul3A_165 = arith.muli %mul3A_164, %scan3A_162 : i32
      %add3A_166 = arith.constant 0 : i32
      %add3A_167 = arith.addi %mul3A_165, %add3A_166 : i32
      %gt3A = arith.constant 0 : i32
      %gt3A_168 = arith.cmpi sgt, %scan3A_162, %gt3A : i32
      %convert_element_type3A_169 = arith.extui %gt3A_168 : i1 to i32
      %cond3A_170 = arith.constant 0 : i32
      %cond3A_171 = arith.cmpi ne, %convert_element_type3A_169, %cond3A_170 : i32
      scf.if %cond3A_171 {
        %dma_wait3A_540 = arith.constant 0 : i32
        %dma_wait3A_541 = arith.constant 0 : i32
        %dma_wait3A_542 = tpu.memref_slice %arg3[%dma_wait3A_540, %dma_wait3A_541] : memref<320000x128xf32, #tpu.memory_space<hbm>> -> memref<80x128xf32, #tpu.memory_space<hbm>>
        %dma_wait3A_543 = arith.constant 0 : i32
        %dma_wait3A_544 = arith.constant 0 : i32
        %dma_wait3A_545 = tpu.memref_slice %arg3[%dma_wait3A_543, %dma_wait3A_544] : memref<320000x128xf32, #tpu.memory_space<hbm>> -> memref<80x128xf32, #tpu.memory_space<hbm>>
        tpu.wait_dma2 semaphore(%arg24 : memref<!tpu.dma_semaphore, #tpu.memory_space<semaphore_mem>>) src(%dma_wait3A_545 : memref<80x128xf32, #tpu.memory_space<hbm>>) dst(%arg12 : memref<80x128xf32, #tpu.memory_space<vmem>>)
        %dma_wait3A_546 = arith.constant 0 : i32
        %dma_wait3A_547 = arith.constant 0 : i32
        %dma_wait3A_548 = tpu.memref_slice %arg3[%dma_wait3A_546, %dma_wait3A_547] : memref<320000x128xf32, #tpu.memory_space<hbm>> -> memref<80x128xf32, #tpu.memory_space<hbm>>
        %dma_wait3A_549 = arith.constant 0 : i32
        %dma_wait3A_550 = arith.constant 0 : i32
        %dma_wait3A_551 = tpu.memref_slice %arg3[%dma_wait3A_549, %dma_wait3A_550] : memref<320000x128xf32, #tpu.memory_space<hbm>> -> memref<80x128xf32, #tpu.memory_space<hbm>>
        tpu.wait_dma2 semaphore(%arg24 : memref<!tpu.dma_semaphore, #tpu.memory_space<semaphore_mem>>) src(%dma_wait3A_551 : memref<80x128xf32, #tpu.memory_space<hbm>>) dst(%arg14 : memref<80x128xf32, #tpu.memory_space<vmem>>)
      } else {
      }
      %add3A_172 = arith.constant 2 : i32
      %add3A_173 = arith.addi %add3A_167, %add3A_172 : i32
      %mul3A_174 = arith.constant 80 : i32
      %mul3A_175 = arith.muli %add3A_173, %mul3A_174 : i32
      %add3A_176 = arith.addi %mul3A_2, %mul3A_175 : i32
      %dma_start3A_177 = arith.constant 0 : i32
      %dma_start3A_178 = arith.constant 0 : i32
      %dma_start3A_179 = tpu.memref_slice %arg9[%dma_start3A_177, %dma_start3A_178] : memref<2x80xi32, #tpu.memory_space<vmem>> -> memref<1x80xi32, #tpu.memory_space<vmem>>
      %dma_start3A_180 = tpu.memref_squeeze %dma_start3A_179 : memref<1x80xi32, #tpu.memory_space<vmem>> -> memref<80xi32, #tpu.memory_space<vmem>>
      %dma_start3A_181 = tpu.memref_slice %arg4[%add3A_176] : memref<640000xi32, #tpu.memory_space<hbm>> -> memref<80xi32, #tpu.memory_space<hbm>>
      %dma_start3A_182 = arith.constant 0 : i32
      %dma_start3A_183 = tpu.memref_slice %arg9[%dma_start3A_177, %dma_start3A_182] : memref<2x80xi32, #tpu.memory_space<vmem>> -> memref<1x80xi32, #tpu.memory_space<vmem>>
      %dma_start3A_184 = tpu.memref_squeeze %dma_start3A_183 : memref<1x80xi32, #tpu.memory_space<vmem>> -> memref<80xi32, #tpu.memory_space<vmem>>
      %dma_start3A_185 = tpu.memref_slice %arg4[%add3A_176] : memref<640000xi32, #tpu.memory_space<hbm>> -> memref<80xi32, #tpu.memory_space<hbm>>
      tpu.enqueue_dma source(%dma_start3A_185 : memref<80xi32, #tpu.memory_space<hbm>>) target(%dma_start3A_184 : memref<80xi32, #tpu.memory_space<vmem>>) target_semaphore(%arg17 : memref<!tpu.dma_semaphore, #tpu.memory_space<semaphore_mem>>)
      %add3A_186 = arith.constant 320000 : i32
      %add3A_187 = arith.addi %add3A_186, %add3A_176 : i32
      %dma_start3A_188 = arith.constant 1 : i32
      %dma_start3A_189 = arith.constant 0 : i32
      %dma_start3A_190 = tpu.memref_slice %arg9[%dma_start3A_188, %dma_start3A_189] : memref<2x80xi32, #tpu.memory_space<vmem>> -> memref<1x80xi32, #tpu.memory_space<vmem>>
      %dma_start3A_191 = tpu.memref_squeeze %dma_start3A_190 : memref<1x80xi32, #tpu.memory_space<vmem>> -> memref<80xi32, #tpu.memory_space<vmem>>
      %dma_start3A_192 = tpu.memref_slice %arg4[%add3A_187] : memref<640000xi32, #tpu.memory_space<hbm>> -> memref<80xi32, #tpu.memory_space<hbm>>
      %dma_start3A_193 = arith.constant 0 : i32
      %dma_start3A_194 = tpu.memref_slice %arg9[%dma_start3A_188, %dma_start3A_193] : memref<2x80xi32, #tpu.memory_space<vmem>> -> memref<1x80xi32, #tpu.memory_space<vmem>>
      %dma_start3A_195 = tpu.memref_squeeze %dma_start3A_194 : memref<1x80xi32, #tpu.memory_space<vmem>> -> memref<80xi32, #tpu.memory_space<vmem>>
      %dma_start3A_196 = tpu.memref_slice %arg4[%add3A_187] : memref<640000xi32, #tpu.memory_space<hbm>> -> memref<80xi32, #tpu.memory_space<hbm>>
      tpu.enqueue_dma source(%dma_start3A_196 : memref<80xi32, #tpu.memory_space<hbm>>) target(%dma_start3A_195 : memref<80xi32, #tpu.memory_space<vmem>>) target_semaphore(%arg17 : memref<!tpu.dma_semaphore, #tpu.memory_space<semaphore_mem>>)
      %dma_wait3A_197 = arith.constant 0 : i32
      %dma_wait3A_198 = arith.constant 0 : i32
      %dma_wait3A_199 = tpu.memref_slice %arg3[%dma_wait3A_197, %dma_wait3A_198] : memref<320000x128xf32, #tpu.memory_space<hbm>> -> memref<80x128xf32, #tpu.memory_space<hbm>>
      %dma_wait3A_200 = arith.constant 0 : i32
      %dma_wait3A_201 = arith.constant 0 : i32
      %dma_wait3A_202 = tpu.memref_slice %arg3[%dma_wait3A_200, %dma_wait3A_201] : memref<320000x128xf32, #tpu.memory_space<hbm>> -> memref<80x128xf32, #tpu.memory_space<hbm>>
      tpu.wait_dma2 semaphore(%arg19 : memref<!tpu.dma_semaphore, #tpu.memory_space<semaphore_mem>>) src(%dma_wait3A_202 : memref<80x128xf32, #tpu.memory_space<hbm>>) dst(%arg11 : memref<80x128xf32, #tpu.memory_space<vmem>>)
      %dma_wait3A_203 = arith.constant 0 : i32
      %dma_wait3A_204 = arith.constant 0 : i32
      %dma_wait3A_205 = tpu.memref_slice %arg3[%dma_wait3A_203, %dma_wait3A_204] : memref<320000x128xf32, #tpu.memory_space<hbm>> -> memref<80x128xf32, #tpu.memory_space<hbm>>
      %dma_wait3A_206 = arith.constant 0 : i32
      %dma_wait3A_207 = arith.constant 0 : i32
      %dma_wait3A_208 = tpu.memref_slice %arg3[%dma_wait3A_206, %dma_wait3A_207] : memref<320000x128xf32, #tpu.memory_space<hbm>> -> memref<80x128xf32, #tpu.memory_space<hbm>>
      tpu.wait_dma2 semaphore(%arg21 : memref<!tpu.dma_semaphore, #tpu.memory_space<semaphore_mem>>) src(%dma_wait3A_208 : memref<80x128xf32, #tpu.memory_space<hbm>>) dst(%arg13 : memref<80x128xf32, #tpu.memory_space<vmem>>)
      %dma_wait3A_209 = arith.constant 0 : i32
      %dma_wait3A_210 = arith.constant 0 : i32
      %dma_wait3A_211 = tpu.memref_slice %arg8[%dma_wait3A_209, %dma_wait3A_210] : memref<2x80xi32, #tpu.memory_space<vmem>> -> memref<1x80xi32, #tpu.memory_space<vmem>>
      %dma_wait3A_212 = tpu.memref_squeeze %dma_wait3A_211 : memref<1x80xi32, #tpu.memory_space<vmem>> -> memref<80xi32, #tpu.memory_space<vmem>>
      %dma_wait3A_213 = arith.constant 0 : i32
      %dma_wait3A_214 = tpu.memref_slice %arg4[%dma_wait3A_213] : memref<640000xi32, #tpu.memory_space<hbm>> -> memref<80xi32, #tpu.memory_space<hbm>>
      %dma_wait3A_215 = arith.constant 0 : i32
      %dma_wait3A_216 = tpu.memref_slice %arg8[%dma_wait3A_209, %dma_wait3A_215] : memref<2x80xi32, #tpu.memory_space<vmem>> -> memref<1x80xi32, #tpu.memory_space<vmem>>
      %dma_wait3A_217 = tpu.memref_squeeze %dma_wait3A_216 : memref<1x80xi32, #tpu.memory_space<vmem>> -> memref<80xi32, #tpu.memory_space<vmem>>
      %dma_wait3A_218 = arith.constant 0 : i32
      %dma_wait3A_219 = tpu.memref_slice %arg4[%dma_wait3A_218] : memref<640000xi32, #tpu.memory_space<hbm>> -> memref<80xi32, #tpu.memory_space<hbm>>
      tpu.wait_dma2 semaphore(%arg16 : memref<!tpu.dma_semaphore, #tpu.memory_space<semaphore_mem>>) src(%dma_wait3A_219 : memref<80xi32, #tpu.memory_space<hbm>>) dst(%dma_wait3A_217 : memref<80xi32, #tpu.memory_space<vmem>>)
      %dma_wait3A_220 = arith.constant 1 : i32
      %dma_wait3A_221 = arith.constant 0 : i32
      %dma_wait3A_222 = tpu.memref_slice %arg8[%dma_wait3A_220, %dma_wait3A_221] : memref<2x80xi32, #tpu.memory_space<vmem>> -> memref<1x80xi32, #tpu.memory_space<vmem>>
      %dma_wait3A_223 = tpu.memref_squeeze %dma_wait3A_222 : memref<1x80xi32, #tpu.memory_space<vmem>> -> memref<80xi32, #tpu.memory_space<vmem>>
      %dma_wait3A_224 = arith.constant 0 : i32
      %dma_wait3A_225 = tpu.memref_slice %arg4[%dma_wait3A_224] : memref<640000xi32, #tpu.memory_space<hbm>> -> memref<80xi32, #tpu.memory_space<hbm>>
      %dma_wait3A_226 = arith.constant 0 : i32
      %dma_wait3A_227 = tpu.memref_slice %arg8[%dma_wait3A_220, %dma_wait3A_226] : memref<2x80xi32, #tpu.memory_space<vmem>> -> memref<1x80xi32, #tpu.memory_space<vmem>>
      %dma_wait3A_228 = tpu.memref_squeeze %dma_wait3A_227 : memref<1x80xi32, #tpu.memory_space<vmem>> -> memref<80xi32, #tpu.memory_space<vmem>>
      %dma_wait3A_229 = arith.constant 0 : i32
      %dma_wait3A_230 = tpu.memref_slice %arg4[%dma_wait3A_229] : memref<640000xi32, #tpu.memory_space<hbm>> -> memref<80xi32, #tpu.memory_space<hbm>>
      tpu.wait_dma2 semaphore(%arg16 : memref<!tpu.dma_semaphore, #tpu.memory_space<semaphore_mem>>) src(%dma_wait3A_230 : memref<80xi32, #tpu.memory_space<hbm>>) dst(%dma_wait3A_228 : memref<80xi32, #tpu.memory_space<vmem>>)
      %add3A_231 = arith.constant 1 : i32
      %add3A_232 = arith.addi %add3A_167, %add3A_231 : i32
      %mul3A_233 = arith.constant 80 : i32
      %mul3A_234 = arith.muli %add3A_232, %mul3A_233 : i32
      %add3A_235 = arith.addi %mul3A_2, %mul3A_234 : i32
      %dma_start3A_236 = arith.constant 0 : i32
      %dma_start3A_237 = arith.constant 0 : i32
      %dma_start3A_238 = tpu.memref_slice %arg8[%dma_start3A_236, %dma_start3A_237] : memref<2x80xi32, #tpu.memory_space<vmem>> -> memref<1x80xi32, #tpu.memory_space<vmem>>
      %dma_start3A_239 = tpu.memref_squeeze %dma_start3A_238 : memref<1x80xi32, #tpu.memory_space<vmem>> -> memref<80xi32, #tpu.memory_space<vmem>>
      %dma_start3A_240 = arith.constant 0 : i32
      %dma_start3A_241 = arith.constant 0 : i32
      %dma_start3A_242 = tpu.memref_slice %arg2[%dma_start3A_240, %dma_start3A_241] : memref<10000x128xf32, #tpu.memory_space<hbm>> -> memref<10000x128xf32, #tpu.memory_space<hbm>>
      tpu.enqueue_indirect_dma source(%dma_start3A_242 : memref<10000x128xf32, #tpu.memory_space<hbm>>) target(%arg12 : memref<80x128xf32, #tpu.memory_space<vmem>>) offsets(%dma_start3A_239 : memref<80xi32, #tpu.memory_space<vmem>>) semaphore(%arg20 : memref<!tpu.dma_semaphore, #tpu.memory_space<semaphore_mem>>)
      %dma_start3A_243 = arith.constant 0 : i32
      %dma_start3A_244 = tpu.memref_slice %arg3[%add3A_235, %dma_start3A_243] : memref<320000x128xf32, #tpu.memory_space<hbm>> -> memref<80x128xf32, #tpu.memory_space<hbm>>
      %dma_start3A_245 = arith.constant 0 : i32
      %dma_start3A_246 = tpu.memref_slice %arg3[%add3A_235, %dma_start3A_245] : memref<320000x128xf32, #tpu.memory_space<hbm>> -> memref<80x128xf32, #tpu.memory_space<hbm>>
      tpu.enqueue_dma source(%dma_start3A_246 : memref<80x128xf32, #tpu.memory_space<hbm>>) target(%arg14 : memref<80x128xf32, #tpu.memory_space<vmem>>) target_semaphore(%arg22 : memref<!tpu.dma_semaphore, #tpu.memory_space<semaphore_mem>>)
      %dma_start3A_247 = arith.constant 1 : i32
      %dma_start3A_248 = arith.constant 0 : i32
      %dma_start3A_249 = tpu.memref_slice %arg7[%dma_start3A_247, %dma_start3A_248] : memref<2x80xi32, #tpu.memory_space<vmem>> -> memref<1x80xi32, #tpu.memory_space<vmem>>
      %dma_start3A_250 = tpu.memref_squeeze %dma_start3A_249 : memref<1x80xi32, #tpu.memory_space<vmem>> -> memref<80xi32, #tpu.memory_space<vmem>>
      %dma_start3A_251 = arith.constant 0 : i32
      %dma_start3A_252 = arith.constant 0 : i32
      %dma_start3A_253 = tpu.memref_slice %arg6[%dma_start3A_251, %dma_start3A_252] : memref<10000x128xf32, #tpu.memory_space<vmem_shared>> -> memref<10000x128xf32, #tpu.memory_space<vmem_shared>>
      tpu.enqueue_indirect_dma source(%arg11 : memref<80x128xf32, #tpu.memory_space<vmem>>) target(%dma_start3A_253 : memref<10000x128xf32, #tpu.memory_space<vmem_shared>>) offsets(%dma_start3A_250 : memref<80xi32, #tpu.memory_space<vmem>>) semaphore(%arg23 : memref<!tpu.dma_semaphore, #tpu.memory_space<semaphore_mem>>) {add = true}
      %dma_start3A_254 = arith.constant 1 : i32
      %dma_start3A_255 = arith.constant 0 : i32
      %dma_start3A_256 = tpu.memref_slice %arg7[%dma_start3A_254, %dma_start3A_255] : memref<2x80xi32, #tpu.memory_space<vmem>> -> memref<1x80xi32, #tpu.memory_space<vmem>>
      %dma_start3A_257 = tpu.memref_squeeze %dma_start3A_256 : memref<1x80xi32, #tpu.memory_space<vmem>> -> memref<80xi32, #tpu.memory_space<vmem>>
      %dma_start3A_258 = arith.constant 0 : i32
      %dma_start3A_259 = arith.constant 0 : i32
      %dma_start3A_260 = tpu.memref_slice %arg6[%dma_start3A_258, %dma_start3A_259] : memref<10000x128xf32, #tpu.memory_space<vmem_shared>> -> memref<10000x128xf32, #tpu.memory_space<vmem_shared>>
      tpu.enqueue_indirect_dma source(%arg13 : memref<80x128xf32, #tpu.memory_space<vmem>>) target(%dma_start3A_260 : memref<10000x128xf32, #tpu.memory_space<vmem_shared>>) offsets(%dma_start3A_257 : memref<80xi32, #tpu.memory_space<vmem>>) semaphore(%arg23 : memref<!tpu.dma_semaphore, #tpu.memory_space<semaphore_mem>>) {add = true}
      %mul3A_261 = arith.constant 4 : i32
      %mul3A_262 = arith.muli %mul3A_261, %scan3A_162 : i32
      %add3A_263 = arith.constant 1 : i32
      %add3A_264 = arith.addi %mul3A_262, %add3A_263 : i32
      %dma_wait3A_265 = arith.constant 0 : i32
      %dma_wait3A_266 = arith.constant 0 : i32
      %dma_wait3A_267 = tpu.memref_slice %arg3[%dma_wait3A_265, %dma_wait3A_266] : memref<320000x128xf32, #tpu.memory_space<hbm>> -> memref<80x128xf32, #tpu.memory_space<hbm>>
      %dma_wait3A_268 = arith.constant 0 : i32
      %dma_wait3A_269 = arith.constant 0 : i32
      %dma_wait3A_270 = tpu.memref_slice %arg3[%dma_wait3A_268, %dma_wait3A_269] : memref<320000x128xf32, #tpu.memory_space<hbm>> -> memref<80x128xf32, #tpu.memory_space<hbm>>
      tpu.wait_dma2 semaphore(%arg23 : memref<!tpu.dma_semaphore, #tpu.memory_space<semaphore_mem>>) src(%dma_wait3A_270 : memref<80x128xf32, #tpu.memory_space<hbm>>) dst(%arg11 : memref<80x128xf32, #tpu.memory_space<vmem>>)
      %dma_wait3A_271 = arith.constant 0 : i32
      %dma_wait3A_272 = arith.constant 0 : i32
      %dma_wait3A_273 = tpu.memref_slice %arg3[%dma_wait3A_271, %dma_wait3A_272] : memref<320000x128xf32, #tpu.memory_space<hbm>> -> memref<80x128xf32, #tpu.memory_space<hbm>>
      %dma_wait3A_274 = arith.constant 0 : i32
      %dma_wait3A_275 = arith.constant 0 : i32
      %dma_wait3A_276 = tpu.memref_slice %arg3[%dma_wait3A_274, %dma_wait3A_275] : memref<320000x128xf32, #tpu.memory_space<hbm>> -> memref<80x128xf32, #tpu.memory_space<hbm>>
      tpu.wait_dma2 semaphore(%arg23 : memref<!tpu.dma_semaphore, #tpu.memory_space<semaphore_mem>>) src(%dma_wait3A_276 : memref<80x128xf32, #tpu.memory_space<hbm>>) dst(%arg13 : memref<80x128xf32, #tpu.memory_space<vmem>>)
      %add3A_277 = arith.constant 2 : i32
      %add3A_278 = arith.addi %add3A_264, %add3A_277 : i32
      %mul3A_279 = arith.constant 80 : i32
      %mul3A_280 = arith.muli %add3A_278, %mul3A_279 : i32
      %add3A_281 = arith.addi %mul3A_2, %mul3A_280 : i32
      %dma_start3A_282 = arith.constant 0 : i32
      %dma_start3A_283 = arith.constant 0 : i32
      %dma_start3A_284 = tpu.memref_slice %arg10[%dma_start3A_282, %dma_start3A_283] : memref<2x80xi32, #tpu.memory_space<vmem>> -> memref<1x80xi32, #tpu.memory_space<vmem>>
      %dma_start3A_285 = tpu.memref_squeeze %dma_start3A_284 : memref<1x80xi32, #tpu.memory_space<vmem>> -> memref<80xi32, #tpu.memory_space<vmem>>
      %dma_start3A_286 = tpu.memref_slice %arg4[%add3A_281] : memref<640000xi32, #tpu.memory_space<hbm>> -> memref<80xi32, #tpu.memory_space<hbm>>
      %dma_start3A_287 = arith.constant 0 : i32
      %dma_start3A_288 = tpu.memref_slice %arg10[%dma_start3A_282, %dma_start3A_287] : memref<2x80xi32, #tpu.memory_space<vmem>> -> memref<1x80xi32, #tpu.memory_space<vmem>>
      %dma_start3A_289 = tpu.memref_squeeze %dma_start3A_288 : memref<1x80xi32, #tpu.memory_space<vmem>> -> memref<80xi32, #tpu.memory_space<vmem>>
      %dma_start3A_290 = tpu.memref_slice %arg4[%add3A_281] : memref<640000xi32, #tpu.memory_space<hbm>> -> memref<80xi32, #tpu.memory_space<hbm>>
      tpu.enqueue_dma source(%dma_start3A_290 : memref<80xi32, #tpu.memory_space<hbm>>) target(%dma_start3A_289 : memref<80xi32, #tpu.memory_space<vmem>>) target_semaphore(%arg18 : memref<!tpu.dma_semaphore, #tpu.memory_space<semaphore_mem>>)
      %add3A_291 = arith.constant 320000 : i32
      %add3A_292 = arith.addi %add3A_291, %add3A_281 : i32
      %dma_start3A_293 = arith.constant 1 : i32
      %dma_start3A_294 = arith.constant 0 : i32
      %dma_start3A_295 = tpu.memref_slice %arg10[%dma_start3A_293, %dma_start3A_294] : memref<2x80xi32, #tpu.memory_space<vmem>> -> memref<1x80xi32, #tpu.memory_space<vmem>>
      %dma_start3A_296 = tpu.memref_squeeze %dma_start3A_295 : memref<1x80xi32, #tpu.memory_space<vmem>> -> memref<80xi32, #tpu.memory_space<vmem>>
      %dma_start3A_297 = tpu.memref_slice %arg4[%add3A_292] : memref<640000xi32, #tpu.memory_space<hbm>> -> memref<80xi32, #tpu.memory_space<hbm>>
      %dma_start3A_298 = arith.constant 0 : i32
      %dma_start3A_299 = tpu.memref_slice %arg10[%dma_start3A_293, %dma_start3A_298] : memref<2x80xi32, #tpu.memory_space<vmem>> -> memref<1x80xi32, #tpu.memory_space<vmem>>
      %dma_start3A_300 = tpu.memref_squeeze %dma_start3A_299 : memref<1x80xi32, #tpu.memory_space<vmem>> -> memref<80xi32, #tpu.memory_space<vmem>>
      %dma_start3A_301 = tpu.memref_slice %arg4[%add3A_292] : memref<640000xi32, #tpu.memory_space<hbm>> -> memref<80xi32, #tpu.memory_space<hbm>>
      tpu.enqueue_dma source(%dma_start3A_301 : memref<80xi32, #tpu.memory_space<hbm>>) target(%dma_start3A_300 : memref<80xi32, #tpu.memory_space<vmem>>) target_semaphore(%arg18 : memref<!tpu.dma_semaphore, #tpu.memory_space<semaphore_mem>>)
      %dma_wait3A_302 = arith.constant 0 : i32
      %dma_wait3A_303 = arith.constant 0 : i32
      %dma_wait3A_304 = tpu.memref_slice %arg3[%dma_wait3A_302, %dma_wait3A_303] : memref<320000x128xf32, #tpu.memory_space<hbm>> -> memref<80x128xf32, #tpu.memory_space<hbm>>
      %dma_wait3A_305 = arith.constant 0 : i32
      %dma_wait3A_306 = arith.constant 0 : i32
      %dma_wait3A_307 = tpu.memref_slice %arg3[%dma_wait3A_305, %dma_wait3A_306] : memref<320000x128xf32, #tpu.memory_space<hbm>> -> memref<80x128xf32, #tpu.memory_space<hbm>>
      tpu.wait_dma2 semaphore(%arg20 : memref<!tpu.dma_semaphore, #tpu.memory_space<semaphore_mem>>) src(%dma_wait3A_307 : memref<80x128xf32, #tpu.memory_space<hbm>>) dst(%arg12 : memref<80x128xf32, #tpu.memory_space<vmem>>)
      %dma_wait3A_308 = arith.constant 0 : i32
      %dma_wait3A_309 = arith.constant 0 : i32
      %dma_wait3A_310 = tpu.memref_slice %arg3[%dma_wait3A_308, %dma_wait3A_309] : memref<320000x128xf32, #tpu.memory_space<hbm>> -> memref<80x128xf32, #tpu.memory_space<hbm>>
      %dma_wait3A_311 = arith.constant 0 : i32
      %dma_wait3A_312 = arith.constant 0 : i32
      %dma_wait3A_313 = tpu.memref_slice %arg3[%dma_wait3A_311, %dma_wait3A_312] : memref<320000x128xf32, #tpu.memory_space<hbm>> -> memref<80x128xf32, #tpu.memory_space<hbm>>
      tpu.wait_dma2 semaphore(%arg22 : memref<!tpu.dma_semaphore, #tpu.memory_space<semaphore_mem>>) src(%dma_wait3A_313 : memref<80x128xf32, #tpu.memory_space<hbm>>) dst(%arg14 : memref<80x128xf32, #tpu.memory_space<vmem>>)
      %dma_wait3A_314 = arith.constant 0 : i32
      %dma_wait3A_315 = arith.constant 0 : i32
      %dma_wait3A_316 = tpu.memref_slice %arg9[%dma_wait3A_314, %dma_wait3A_315] : memref<2x80xi32, #tpu.memory_space<vmem>> -> memref<1x80xi32, #tpu.memory_space<vmem>>
      %dma_wait3A_317 = tpu.memref_squeeze %dma_wait3A_316 : memref<1x80xi32, #tpu.memory_space<vmem>> -> memref<80xi32, #tpu.memory_space<vmem>>
      %dma_wait3A_318 = arith.constant 0 : i32
      %dma_wait3A_319 = tpu.memref_slice %arg4[%dma_wait3A_318] : memref<640000xi32, #tpu.memory_space<hbm>> -> memref<80xi32, #tpu.memory_space<hbm>>
      %dma_wait3A_320 = arith.constant 0 : i32
      %dma_wait3A_321 = tpu.memref_slice %arg9[%dma_wait3A_314, %dma_wait3A_320] : memref<2x80xi32, #tpu.memory_space<vmem>> -> memref<1x80xi32, #tpu.memory_space<vmem>>
      %dma_wait3A_322 = tpu.memref_squeeze %dma_wait3A_321 : memref<1x80xi32, #tpu.memory_space<vmem>> -> memref<80xi32, #tpu.memory_space<vmem>>
      %dma_wait3A_323 = arith.constant 0 : i32
      %dma_wait3A_324 = tpu.memref_slice %arg4[%dma_wait3A_323] : memref<640000xi32, #tpu.memory_space<hbm>> -> memref<80xi32, #tpu.memory_space<hbm>>
      tpu.wait_dma2 semaphore(%arg17 : memref<!tpu.dma_semaphore, #tpu.memory_space<semaphore_mem>>) src(%dma_wait3A_324 : memref<80xi32, #tpu.memory_space<hbm>>) dst(%dma_wait3A_322 : memref<80xi32, #tpu.memory_space<vmem>>)
      %dma_wait3A_325 = arith.constant 1 : i32
      %dma_wait3A_326 = arith.constant 0 : i32
      %dma_wait3A_327 = tpu.memref_slice %arg9[%dma_wait3A_325, %dma_wait3A_326] : memref<2x80xi32, #tpu.memory_space<vmem>> -> memref<1x80xi32, #tpu.memory_space<vmem>>
      %dma_wait3A_328 = tpu.memref_squeeze %dma_wait3A_327 : memref<1x80xi32, #tpu.memory_space<vmem>> -> memref<80xi32, #tpu.memory_space<vmem>>
      %dma_wait3A_329 = arith.constant 0 : i32
      %dma_wait3A_330 = tpu.memref_slice %arg4[%dma_wait3A_329] : memref<640000xi32, #tpu.memory_space<hbm>> -> memref<80xi32, #tpu.memory_space<hbm>>
      %dma_wait3A_331 = arith.constant 0 : i32
      %dma_wait3A_332 = tpu.memref_slice %arg9[%dma_wait3A_325, %dma_wait3A_331] : memref<2x80xi32, #tpu.memory_space<vmem>> -> memref<1x80xi32, #tpu.memory_space<vmem>>
      %dma_wait3A_333 = tpu.memref_squeeze %dma_wait3A_332 : memref<1x80xi32, #tpu.memory_space<vmem>> -> memref<80xi32, #tpu.memory_space<vmem>>
      %dma_wait3A_334 = arith.constant 0 : i32
      %dma_wait3A_335 = tpu.memref_slice %arg4[%dma_wait3A_334] : memref<640000xi32, #tpu.memory_space<hbm>> -> memref<80xi32, #tpu.memory_space<hbm>>
      tpu.wait_dma2 semaphore(%arg17 : memref<!tpu.dma_semaphore, #tpu.memory_space<semaphore_mem>>) src(%dma_wait3A_335 : memref<80xi32, #tpu.memory_space<hbm>>) dst(%dma_wait3A_333 : memref<80xi32, #tpu.memory_space<vmem>>)
      %add3A_336 = arith.constant 1 : i32
      %add3A_337 = arith.addi %add3A_264, %add3A_336 : i32
      %mul3A_338 = arith.constant 80 : i32
      %mul3A_339 = arith.muli %add3A_337, %mul3A_338 : i32
      %add3A_340 = arith.addi %mul3A_2, %mul3A_339 : i32
      %dma_start3A_341 = arith.constant 0 : i32
      %dma_start3A_342 = arith.constant 0 : i32
      %dma_start3A_343 = tpu.memref_slice %arg9[%dma_start3A_341, %dma_start3A_342] : memref<2x80xi32, #tpu.memory_space<vmem>> -> memref<1x80xi32, #tpu.memory_space<vmem>>
      %dma_start3A_344 = tpu.memref_squeeze %dma_start3A_343 : memref<1x80xi32, #tpu.memory_space<vmem>> -> memref<80xi32, #tpu.memory_space<vmem>>
      %dma_start3A_345 = arith.constant 0 : i32
      %dma_start3A_346 = arith.constant 0 : i32
      %dma_start3A_347 = tpu.memref_slice %arg2[%dma_start3A_345, %dma_start3A_346] : memref<10000x128xf32, #tpu.memory_space<hbm>> -> memref<10000x128xf32, #tpu.memory_space<hbm>>
      tpu.enqueue_indirect_dma source(%dma_start3A_347 : memref<10000x128xf32, #tpu.memory_space<hbm>>) target(%arg11 : memref<80x128xf32, #tpu.memory_space<vmem>>) offsets(%dma_start3A_344 : memref<80xi32, #tpu.memory_space<vmem>>) semaphore(%arg19 : memref<!tpu.dma_semaphore, #tpu.memory_space<semaphore_mem>>)
      %dma_start3A_348 = arith.constant 0 : i32
      %dma_start3A_349 = tpu.memref_slice %arg3[%add3A_340, %dma_start3A_348] : memref<320000x128xf32, #tpu.memory_space<hbm>> -> memref<80x128xf32, #tpu.memory_space<hbm>>
      %dma_start3A_350 = arith.constant 0 : i32
      %dma_start3A_351 = tpu.memref_slice %arg3[%add3A_340, %dma_start3A_350] : memref<320000x128xf32, #tpu.memory_space<hbm>> -> memref<80x128xf32, #tpu.memory_space<hbm>>
      tpu.enqueue_dma source(%dma_start3A_351 : memref<80x128xf32, #tpu.memory_space<hbm>>) target(%arg13 : memref<80x128xf32, #tpu.memory_space<vmem>>) target_semaphore(%arg21 : memref<!tpu.dma_semaphore, #tpu.memory_space<semaphore_mem>>)
      %dma_start3A_352 = arith.constant 1 : i32
      %dma_start3A_353 = arith.constant 0 : i32
      %dma_start3A_354 = tpu.memref_slice %arg8[%dma_start3A_352, %dma_start3A_353] : memref<2x80xi32, #tpu.memory_space<vmem>> -> memref<1x80xi32, #tpu.memory_space<vmem>>
      %dma_start3A_355 = tpu.memref_squeeze %dma_start3A_354 : memref<1x80xi32, #tpu.memory_space<vmem>> -> memref<80xi32, #tpu.memory_space<vmem>>
      %dma_start3A_356 = arith.constant 0 : i32
      %dma_start3A_357 = arith.constant 0 : i32
      %dma_start3A_358 = tpu.memref_slice %arg6[%dma_start3A_356, %dma_start3A_357] : memref<10000x128xf32, #tpu.memory_space<vmem_shared>> -> memref<10000x128xf32, #tpu.memory_space<vmem_shared>>
      tpu.enqueue_indirect_dma source(%arg12 : memref<80x128xf32, #tpu.memory_space<vmem>>) target(%dma_start3A_358 : memref<10000x128xf32, #tpu.memory_space<vmem_shared>>) offsets(%dma_start3A_355 : memref<80xi32, #tpu.memory_space<vmem>>) semaphore(%arg24 : memref<!tpu.dma_semaphore, #tpu.memory_space<semaphore_mem>>) {add = true}
      %dma_start3A_359 = arith.constant 1 : i32
      %dma_start3A_360 = arith.constant 0 : i32
      %dma_start3A_361 = tpu.memref_slice %arg8[%dma_start3A_359, %dma_start3A_360] : memref<2x80xi32, #tpu.memory_space<vmem>> -> memref<1x80xi32, #tpu.memory_space<vmem>>
      %dma_start3A_362 = tpu.memref_squeeze %dma_start3A_361 : memref<1x80xi32, #tpu.memory_space<vmem>> -> memref<80xi32, #tpu.memory_space<vmem>>
      %dma_start3A_363 = arith.constant 0 : i32
      %dma_start3A_364 = arith.constant 0 : i32
      %dma_start3A_365 = tpu.memref_slice %arg6[%dma_start3A_363, %dma_start3A_364] : memref<10000x128xf32, #tpu.memory_space<vmem_shared>> -> memref<10000x128xf32, #tpu.memory_space<vmem_shared>>
      tpu.enqueue_indirect_dma source(%arg14 : memref<80x128xf32, #tpu.memory_space<vmem>>) target(%dma_start3A_365 : memref<10000x128xf32, #tpu.memory_space<vmem_shared>>) offsets(%dma_start3A_362 : memref<80xi32, #tpu.memory_space<vmem>>) semaphore(%arg24 : memref<!tpu.dma_semaphore, #tpu.memory_space<semaphore_mem>>) {add = true}
      %mul3A_366 = arith.constant 4 : i32
      %mul3A_367 = arith.muli %mul3A_366, %scan3A_162 : i32
      %add3A_368 = arith.constant 2 : i32
      %add3A_369 = arith.addi %mul3A_367, %add3A_368 : i32
      %dma_wait3A_370 = arith.constant 0 : i32
      %dma_wait3A_371 = arith.constant 0 : i32
      %dma_wait3A_372 = tpu.memref_slice %arg3[%dma_wait3A_370, %dma_wait3A_371] : memref<320000x128xf32, #tpu.memory_space<hbm>> -> memref<80x128xf32, #tpu.memory_space<hbm>>
      %dma_wait3A_373 = arith.constant 0 : i32
      %dma_wait3A_374 = arith.constant 0 : i32
      %dma_wait3A_375 = tpu.memref_slice %arg3[%dma_wait3A_373, %dma_wait3A_374] : memref<320000x128xf32, #tpu.memory_space<hbm>> -> memref<80x128xf32, #tpu.memory_space<hbm>>
      tpu.wait_dma2 semaphore(%arg24 : memref<!tpu.dma_semaphore, #tpu.memory_space<semaphore_mem>>) src(%dma_wait3A_375 : memref<80x128xf32, #tpu.memory_space<hbm>>) dst(%arg12 : memref<80x128xf32, #tpu.memory_space<vmem>>)
      %dma_wait3A_376 = arith.constant 0 : i32
      %dma_wait3A_377 = arith.constant 0 : i32
      %dma_wait3A_378 = tpu.memref_slice %arg3[%dma_wait3A_376, %dma_wait3A_377] : memref<320000x128xf32, #tpu.memory_space<hbm>> -> memref<80x128xf32, #tpu.memory_space<hbm>>
      %dma_wait3A_379 = arith.constant 0 : i32
      %dma_wait3A_380 = arith.constant 0 : i32
      %dma_wait3A_381 = tpu.memref_slice %arg3[%dma_wait3A_379, %dma_wait3A_380] : memref<320000x128xf32, #tpu.memory_space<hbm>> -> memref<80x128xf32, #tpu.memory_space<hbm>>
      tpu.wait_dma2 semaphore(%arg24 : memref<!tpu.dma_semaphore, #tpu.memory_space<semaphore_mem>>) src(%dma_wait3A_381 : memref<80x128xf32, #tpu.memory_space<hbm>>) dst(%arg14 : memref<80x128xf32, #tpu.memory_space<vmem>>)
      %add3A_382 = arith.constant 2 : i32
      %add3A_383 = arith.addi %add3A_369, %add3A_382 : i32
      %lt3A = arith.constant 125 : i32
      %lt3A_384 = arith.cmpi slt, %add3A_383, %lt3A : i32
      %convert_element_type3A_385 = arith.extui %lt3A_384 : i1 to i32
      %cond3A_386 = arith.constant 0 : i32
      %cond3A_387 = arith.cmpi ne, %convert_element_type3A_385, %cond3A_386 : i32
      scf.if %cond3A_387 {
        %add3A_540 = arith.constant 2 : i32
        %add3A_541 = arith.addi %add3A_369, %add3A_540 : i32
        %mul3A_542 = arith.constant 80 : i32
        %mul3A_543 = arith.muli %add3A_541, %mul3A_542 : i32
        %add3A_544 = arith.addi %mul3A_2, %mul3A_543 : i32
        %dma_start3A_545 = arith.constant 0 : i32
        %dma_start3A_546 = arith.constant 0 : i32
        %dma_start3A_547 = tpu.memref_slice %arg7[%dma_start3A_545, %dma_start3A_546] : memref<2x80xi32, #tpu.memory_space<vmem>> -> memref<1x80xi32, #tpu.memory_space<vmem>>
        %dma_start3A_548 = tpu.memref_squeeze %dma_start3A_547 : memref<1x80xi32, #tpu.memory_space<vmem>> -> memref<80xi32, #tpu.memory_space<vmem>>
        %dma_start3A_549 = tpu.memref_slice %arg4[%add3A_544] : memref<640000xi32, #tpu.memory_space<hbm>> -> memref<80xi32, #tpu.memory_space<hbm>>
        %dma_start3A_550 = arith.constant 0 : i32
        %dma_start3A_551 = tpu.memref_slice %arg7[%dma_start3A_545, %dma_start3A_550] : memref<2x80xi32, #tpu.memory_space<vmem>> -> memref<1x80xi32, #tpu.memory_space<vmem>>
        %dma_start3A_552 = tpu.memref_squeeze %dma_start3A_551 : memref<1x80xi32, #tpu.memory_space<vmem>> -> memref<80xi32, #tpu.memory_space<vmem>>
        %dma_start3A_553 = tpu.memref_slice %arg4[%add3A_544] : memref<640000xi32, #tpu.memory_space<hbm>> -> memref<80xi32, #tpu.memory_space<hbm>>
        tpu.enqueue_dma source(%dma_start3A_553 : memref<80xi32, #tpu.memory_space<hbm>>) target(%dma_start3A_552 : memref<80xi32, #tpu.memory_space<vmem>>) target_semaphore(%arg15 : memref<!tpu.dma_semaphore, #tpu.memory_space<semaphore_mem>>)
        %add3A_554 = arith.constant 320000 : i32
        %add3A_555 = arith.addi %add3A_554, %add3A_544 : i32
        %dma_start3A_556 = arith.constant 1 : i32
        %dma_start3A_557 = arith.constant 0 : i32
        %dma_start3A_558 = tpu.memref_slice %arg7[%dma_start3A_556, %dma_start3A_557] : memref<2x80xi32, #tpu.memory_space<vmem>> -> memref<1x80xi32, #tpu.memory_space<vmem>>
        %dma_start3A_559 = tpu.memref_squeeze %dma_start3A_558 : memref<1x80xi32, #tpu.memory_space<vmem>> -> memref<80xi32, #tpu.memory_space<vmem>>
        %dma_start3A_560 = tpu.memref_slice %arg4[%add3A_555] : memref<640000xi32, #tpu.memory_space<hbm>> -> memref<80xi32, #tpu.memory_space<hbm>>
        %dma_start3A_561 = arith.constant 0 : i32
        %dma_start3A_562 = tpu.memref_slice %arg7[%dma_start3A_556, %dma_start3A_561] : memref<2x80xi32, #tpu.memory_space<vmem>> -> memref<1x80xi32, #tpu.memory_space<vmem>>
        %dma_start3A_563 = tpu.memref_squeeze %dma_start3A_562 : memref<1x80xi32, #tpu.memory_space<vmem>> -> memref<80xi32, #tpu.memory_space<vmem>>
        %dma_start3A_564 = tpu.memref_slice %arg4[%add3A_555] : memref<640000xi32, #tpu.memory_space<hbm>> -> memref<80xi32, #tpu.memory_space<hbm>>
        tpu.enqueue_dma source(%dma_start3A_564 : memref<80xi32, #tpu.memory_space<hbm>>) target(%dma_start3A_563 : memref<80xi32, #tpu.memory_space<vmem>>) target_semaphore(%arg15 : memref<!tpu.dma_semaphore, #tpu.memory_space<semaphore_mem>>)
      } else {
      }
      %dma_wait3A_388 = arith.constant 0 : i32
      %dma_wait3A_389 = arith.constant 0 : i32
      %dma_wait3A_390 = tpu.memref_slice %arg3[%dma_wait3A_388, %dma_wait3A_389] : memref<320000x128xf32, #tpu.memory_space<hbm>> -> memref<80x128xf32, #tpu.memory_space<hbm>>
      %dma_wait3A_391 = arith.constant 0 : i32
      %dma_wait3A_392 = arith.constant 0 : i32
      %dma_wait3A_393 = tpu.memref_slice %arg3[%dma_wait3A_391, %dma_wait3A_392] : memref<320000x128xf32, #tpu.memory_space<hbm>> -> memref<80x128xf32, #tpu.memory_space<hbm>>
      tpu.wait_dma2 semaphore(%arg19 : memref<!tpu.dma_semaphore, #tpu.memory_space<semaphore_mem>>) src(%dma_wait3A_393 : memref<80x128xf32, #tpu.memory_space<hbm>>) dst(%arg11 : memref<80x128xf32, #tpu.memory_space<vmem>>)
      %dma_wait3A_394 = arith.constant 0 : i32
      %dma_wait3A_395 = arith.constant 0 : i32
      %dma_wait3A_396 = tpu.memref_slice %arg3[%dma_wait3A_394, %dma_wait3A_395] : memref<320000x128xf32, #tpu.memory_space<hbm>> -> memref<80x128xf32, #tpu.memory_space<hbm>>
      %dma_wait3A_397 = arith.constant 0 : i32
      %dma_wait3A_398 = arith.constant 0 : i32
      %dma_wait3A_399 = tpu.memref_slice %arg3[%dma_wait3A_397, %dma_wait3A_398] : memref<320000x128xf32, #tpu.memory_space<hbm>> -> memref<80x128xf32, #tpu.memory_space<hbm>>
      tpu.wait_dma2 semaphore(%arg21 : memref<!tpu.dma_semaphore, #tpu.memory_space<semaphore_mem>>) src(%dma_wait3A_399 : memref<80x128xf32, #tpu.memory_space<hbm>>) dst(%arg13 : memref<80x128xf32, #tpu.memory_space<vmem>>)
      %dma_wait3A_400 = arith.constant 0 : i32
      %dma_wait3A_401 = arith.constant 0 : i32
      %dma_wait3A_402 = tpu.memref_slice %arg10[%dma_wait3A_400, %dma_wait3A_401] : memref<2x80xi32, #tpu.memory_space<vmem>> -> memref<1x80xi32, #tpu.memory_space<vmem>>
      %dma_wait3A_403 = tpu.memref_squeeze %dma_wait3A_402 : memref<1x80xi32, #tpu.memory_space<vmem>> -> memref<80xi32, #tpu.memory_space<vmem>>
      %dma_wait3A_404 = arith.constant 0 : i32
      %dma_wait3A_405 = tpu.memref_slice %arg4[%dma_wait3A_404] : memref<640000xi32, #tpu.memory_space<hbm>> -> memref<80xi32, #tpu.memory_space<hbm>>
      %dma_wait3A_406 = arith.constant 0 : i32
      %dma_wait3A_407 = tpu.memref_slice %arg10[%dma_wait3A_400, %dma_wait3A_406] : memref<2x80xi32, #tpu.memory_space<vmem>> -> memref<1x80xi32, #tpu.memory_space<vmem>>
      %dma_wait3A_408 = tpu.memref_squeeze %dma_wait3A_407 : memref<1x80xi32, #tpu.memory_space<vmem>> -> memref<80xi32, #tpu.memory_space<vmem>>
      %dma_wait3A_409 = arith.constant 0 : i32
      %dma_wait3A_410 = tpu.memref_slice %arg4[%dma_wait3A_409] : memref<640000xi32, #tpu.memory_space<hbm>> -> memref<80xi32, #tpu.memory_space<hbm>>
      tpu.wait_dma2 semaphore(%arg18 : memref<!tpu.dma_semaphore, #tpu.memory_space<semaphore_mem>>) src(%dma_wait3A_410 : memref<80xi32, #tpu.memory_space<hbm>>) dst(%dma_wait3A_408 : memref<80xi32, #tpu.memory_space<vmem>>)
      %dma_wait3A_411 = arith.constant 1 : i32
      %dma_wait3A_412 = arith.constant 0 : i32
      %dma_wait3A_413 = tpu.memref_slice %arg10[%dma_wait3A_411, %dma_wait3A_412] : memref<2x80xi32, #tpu.memory_space<vmem>> -> memref<1x80xi32, #tpu.memory_space<vmem>>
      %dma_wait3A_414 = tpu.memref_squeeze %dma_wait3A_413 : memref<1x80xi32, #tpu.memory_space<vmem>> -> memref<80xi32, #tpu.memory_space<vmem>>
      %dma_wait3A_415 = arith.constant 0 : i32
      %dma_wait3A_416 = tpu.memref_slice %arg4[%dma_wait3A_415] : memref<640000xi32, #tpu.memory_space<hbm>> -> memref<80xi32, #tpu.memory_space<hbm>>
      %dma_wait3A_417 = arith.constant 0 : i32
      %dma_wait3A_418 = tpu.memref_slice %arg10[%dma_wait3A_411, %dma_wait3A_417] : memref<2x80xi32, #tpu.memory_space<vmem>> -> memref<1x80xi32, #tpu.memory_space<vmem>>
      %dma_wait3A_419 = tpu.memref_squeeze %dma_wait3A_418 : memref<1x80xi32, #tpu.memory_space<vmem>> -> memref<80xi32, #tpu.memory_space<vmem>>
      %dma_wait3A_420 = arith.constant 0 : i32
      %dma_wait3A_421 = tpu.memref_slice %arg4[%dma_wait3A_420] : memref<640000xi32, #tpu.memory_space<hbm>> -> memref<80xi32, #tpu.memory_space<hbm>>
      tpu.wait_dma2 semaphore(%arg18 : memref<!tpu.dma_semaphore, #tpu.memory_space<semaphore_mem>>) src(%dma_wait3A_421 : memref<80xi32, #tpu.memory_space<hbm>>) dst(%dma_wait3A_419 : memref<80xi32, #tpu.memory_space<vmem>>)
      %add3A_422 = arith.constant 1 : i32
      %add3A_423 = arith.addi %add3A_369, %add3A_422 : i32
      %mul3A_424 = arith.constant 80 : i32
      %mul3A_425 = arith.muli %add3A_423, %mul3A_424 : i32
      %add3A_426 = arith.addi %mul3A_2, %mul3A_425 : i32
      %dma_start3A_427 = arith.constant 0 : i32
      %dma_start3A_428 = arith.constant 0 : i32
      %dma_start3A_429 = tpu.memref_slice %arg10[%dma_start3A_427, %dma_start3A_428] : memref<2x80xi32, #tpu.memory_space<vmem>> -> memref<1x80xi32, #tpu.memory_space<vmem>>
      %dma_start3A_430 = tpu.memref_squeeze %dma_start3A_429 : memref<1x80xi32, #tpu.memory_space<vmem>> -> memref<80xi32, #tpu.memory_space<vmem>>
      %dma_start3A_431 = arith.constant 0 : i32
      %dma_start3A_432 = arith.constant 0 : i32
      %dma_start3A_433 = tpu.memref_slice %arg2[%dma_start3A_431, %dma_start3A_432] : memref<10000x128xf32, #tpu.memory_space<hbm>> -> memref<10000x128xf32, #tpu.memory_space<hbm>>
      tpu.enqueue_indirect_dma source(%dma_start3A_433 : memref<10000x128xf32, #tpu.memory_space<hbm>>) target(%arg12 : memref<80x128xf32, #tpu.memory_space<vmem>>) offsets(%dma_start3A_430 : memref<80xi32, #tpu.memory_space<vmem>>) semaphore(%arg20 : memref<!tpu.dma_semaphore, #tpu.memory_space<semaphore_mem>>)
      %dma_start3A_434 = arith.constant 0 : i32
      %dma_start3A_435 = tpu.memref_slice %arg3[%add3A_426, %dma_start3A_434] : memref<320000x128xf32, #tpu.memory_space<hbm>> -> memref<80x128xf32, #tpu.memory_space<hbm>>
      %dma_start3A_436 = arith.constant 0 : i32
      %dma_start3A_437 = tpu.memref_slice %arg3[%add3A_426, %dma_start3A_436] : memref<320000x128xf32, #tpu.memory_space<hbm>> -> memref<80x128xf32, #tpu.memory_space<hbm>>
      tpu.enqueue_dma source(%dma_start3A_437 : memref<80x128xf32, #tpu.memory_space<hbm>>) target(%arg14 : memref<80x128xf32, #tpu.memory_space<vmem>>) target_semaphore(%arg22 : memref<!tpu.dma_semaphore, #tpu.memory_space<semaphore_mem>>)
      %dma_start3A_438 = arith.constant 1 : i32
      %dma_start3A_439 = arith.constant 0 : i32
      %dma_start3A_440 = tpu.memref_slice %arg9[%dma_start3A_438, %dma_start3A_439] : memref<2x80xi32, #tpu.memory_space<vmem>> -> memref<1x80xi32, #tpu.memory_space<vmem>>
      %dma_start3A_441 = tpu.memref_squeeze %dma_start3A_440 : memref<1x80xi32, #tpu.memory_space<vmem>> -> memref<80xi32, #tpu.memory_space<vmem>>
      %dma_start3A_442 = arith.constant 0 : i32
      %dma_start3A_443 = arith.constant 0 : i32
      %dma_start3A_444 = tpu.memref_slice %arg6[%dma_start3A_442, %dma_start3A_443] : memref<10000x128xf32, #tpu.memory_space<vmem_shared>> -> memref<10000x128xf32, #tpu.memory_space<vmem_shared>>
      tpu.enqueue_indirect_dma source(%arg11 : memref<80x128xf32, #tpu.memory_space<vmem>>) target(%dma_start3A_444 : memref<10000x128xf32, #tpu.memory_space<vmem_shared>>) offsets(%dma_start3A_441 : memref<80xi32, #tpu.memory_space<vmem>>) semaphore(%arg23 : memref<!tpu.dma_semaphore, #tpu.memory_space<semaphore_mem>>) {add = true}
      %dma_start3A_445 = arith.constant 1 : i32
      %dma_start3A_446 = arith.constant 0 : i32
      %dma_start3A_447 = tpu.memref_slice %arg9[%dma_start3A_445, %dma_start3A_446] : memref<2x80xi32, #tpu.memory_space<vmem>> -> memref<1x80xi32, #tpu.memory_space<vmem>>
      %dma_start3A_448 = tpu.memref_squeeze %dma_start3A_447 : memref<1x80xi32, #tpu.memory_space<vmem>> -> memref<80xi32, #tpu.memory_space<vmem>>
      %dma_start3A_449 = arith.constant 0 : i32
      %dma_start3A_450 = arith.constant 0 : i32
      %dma_start3A_451 = tpu.memref_slice %arg6[%dma_start3A_449, %dma_start3A_450] : memref<10000x128xf32, #tpu.memory_space<vmem_shared>> -> memref<10000x128xf32, #tpu.memory_space<vmem_shared>>
      tpu.enqueue_indirect_dma source(%arg13 : memref<80x128xf32, #tpu.memory_space<vmem>>) target(%dma_start3A_451 : memref<10000x128xf32, #tpu.memory_space<vmem_shared>>) offsets(%dma_start3A_448 : memref<80xi32, #tpu.memory_space<vmem>>) semaphore(%arg23 : memref<!tpu.dma_semaphore, #tpu.memory_space<semaphore_mem>>) {add = true}
      %mul3A_452 = arith.constant 4 : i32
      %mul3A_453 = arith.muli %mul3A_452, %scan3A_162 : i32
      %add3A_454 = arith.constant 3 : i32
      %add3A_455 = arith.addi %mul3A_453, %add3A_454 : i32
      %dma_wait3A_456 = arith.constant 0 : i32
      %dma_wait3A_457 = arith.constant 0 : i32
      %dma_wait3A_458 = tpu.memref_slice %arg3[%dma_wait3A_456, %dma_wait3A_457] : memref<320000x128xf32, #tpu.memory_space<hbm>> -> memref<80x128xf32, #tpu.memory_space<hbm>>
      %dma_wait3A_459 = arith.constant 0 : i32
      %dma_wait3A_460 = arith.constant 0 : i32
      %dma_wait3A_461 = tpu.memref_slice %arg3[%dma_wait3A_459, %dma_wait3A_460] : memref<320000x128xf32, #tpu.memory_space<hbm>> -> memref<80x128xf32, #tpu.memory_space<hbm>>
      tpu.wait_dma2 semaphore(%arg23 : memref<!tpu.dma_semaphore, #tpu.memory_space<semaphore_mem>>) src(%dma_wait3A_461 : memref<80x128xf32, #tpu.memory_space<hbm>>) dst(%arg11 : memref<80x128xf32, #tpu.memory_space<vmem>>)
      %dma_wait3A_462 = arith.constant 0 : i32
      %dma_wait3A_463 = arith.constant 0 : i32
      %dma_wait3A_464 = tpu.memref_slice %arg3[%dma_wait3A_462, %dma_wait3A_463] : memref<320000x128xf32, #tpu.memory_space<hbm>> -> memref<80x128xf32, #tpu.memory_space<hbm>>
      %dma_wait3A_465 = arith.constant 0 : i32
      %dma_wait3A_466 = arith.constant 0 : i32
      %dma_wait3A_467 = tpu.memref_slice %arg3[%dma_wait3A_465, %dma_wait3A_466] : memref<320000x128xf32, #tpu.memory_space<hbm>> -> memref<80x128xf32, #tpu.memory_space<hbm>>
      tpu.wait_dma2 semaphore(%arg23 : memref<!tpu.dma_semaphore, #tpu.memory_space<semaphore_mem>>) src(%dma_wait3A_467 : memref<80x128xf32, #tpu.memory_space<hbm>>) dst(%arg13 : memref<80x128xf32, #tpu.memory_space<vmem>>)
      %add3A_468 = arith.constant 2 : i32
      %add3A_469 = arith.addi %add3A_455, %add3A_468 : i32
      %lt3A_470 = arith.constant 125 : i32
      %lt3A_471 = arith.cmpi slt, %add3A_469, %lt3A_470 : i32
      %convert_element_type3A_472 = arith.extui %lt3A_471 : i1 to i32
      %cond3A_473 = arith.constant 0 : i32
      %cond3A_474 = arith.cmpi ne, %convert_element_type3A_472, %cond3A_473 : i32
      scf.if %cond3A_474 {
        %add3A_540 = arith.constant 2 : i32
        %add3A_541 = arith.addi %add3A_455, %add3A_540 : i32
        %mul3A_542 = arith.constant 80 : i32
        %mul3A_543 = arith.muli %add3A_541, %mul3A_542 : i32
        %add3A_544 = arith.addi %mul3A_2, %mul3A_543 : i32
        %dma_start3A_545 = arith.constant 0 : i32
        %dma_start3A_546 = arith.constant 0 : i32
        %dma_start3A_547 = tpu.memref_slice %arg8[%dma_start3A_545, %dma_start3A_546] : memref<2x80xi32, #tpu.memory_space<vmem>> -> memref<1x80xi32, #tpu.memory_space<vmem>>
        %dma_start3A_548 = tpu.memref_squeeze %dma_start3A_547 : memref<1x80xi32, #tpu.memory_space<vmem>> -> memref<80xi32, #tpu.memory_space<vmem>>
        %dma_start3A_549 = tpu.memref_slice %arg4[%add3A_544] : memref<640000xi32, #tpu.memory_space<hbm>> -> memref<80xi32, #tpu.memory_space<hbm>>
        %dma_start3A_550 = arith.constant 0 : i32
        %dma_start3A_551 = tpu.memref_slice %arg8[%dma_start3A_545, %dma_start3A_550] : memref<2x80xi32, #tpu.memory_space<vmem>> -> memref<1x80xi32, #tpu.memory_space<vmem>>
        %dma_start3A_552 = tpu.memref_squeeze %dma_start3A_551 : memref<1x80xi32, #tpu.memory_space<vmem>> -> memref<80xi32, #tpu.memory_space<vmem>>
        %dma_start3A_553 = tpu.memref_slice %arg4[%add3A_544] : memref<640000xi32, #tpu.memory_space<hbm>> -> memref<80xi32, #tpu.memory_space<hbm>>
        tpu.enqueue_dma source(%dma_start3A_553 : memref<80xi32, #tpu.memory_space<hbm>>) target(%dma_start3A_552 : memref<80xi32, #tpu.memory_space<vmem>>) target_semaphore(%arg16 : memref<!tpu.dma_semaphore, #tpu.memory_space<semaphore_mem>>)
        %add3A_554 = arith.constant 320000 : i32
        %add3A_555 = arith.addi %add3A_554, %add3A_544 : i32
        %dma_start3A_556 = arith.constant 1 : i32
        %dma_start3A_557 = arith.constant 0 : i32
        %dma_start3A_558 = tpu.memref_slice %arg8[%dma_start3A_556, %dma_start3A_557] : memref<2x80xi32, #tpu.memory_space<vmem>> -> memref<1x80xi32, #tpu.memory_space<vmem>>
        %dma_start3A_559 = tpu.memref_squeeze %dma_start3A_558 : memref<1x80xi32, #tpu.memory_space<vmem>> -> memref<80xi32, #tpu.memory_space<vmem>>
        %dma_start3A_560 = tpu.memref_slice %arg4[%add3A_555] : memref<640000xi32, #tpu.memory_space<hbm>> -> memref<80xi32, #tpu.memory_space<hbm>>
        %dma_start3A_561 = arith.constant 0 : i32
        %dma_start3A_562 = tpu.memref_slice %arg8[%dma_start3A_556, %dma_start3A_561] : memref<2x80xi32, #tpu.memory_space<vmem>> -> memref<1x80xi32, #tpu.memory_space<vmem>>
        %dma_start3A_563 = tpu.memref_squeeze %dma_start3A_562 : memref<1x80xi32, #tpu.memory_space<vmem>> -> memref<80xi32, #tpu.memory_space<vmem>>
        %dma_start3A_564 = tpu.memref_slice %arg4[%add3A_555] : memref<640000xi32, #tpu.memory_space<hbm>> -> memref<80xi32, #tpu.memory_space<hbm>>
        tpu.enqueue_dma source(%dma_start3A_564 : memref<80xi32, #tpu.memory_space<hbm>>) target(%dma_start3A_563 : memref<80xi32, #tpu.memory_space<vmem>>) target_semaphore(%arg16 : memref<!tpu.dma_semaphore, #tpu.memory_space<semaphore_mem>>)
      } else {
      }
      %dma_wait3A_475 = arith.constant 0 : i32
      %dma_wait3A_476 = arith.constant 0 : i32
      %dma_wait3A_477 = tpu.memref_slice %arg3[%dma_wait3A_475, %dma_wait3A_476] : memref<320000x128xf32, #tpu.memory_space<hbm>> -> memref<80x128xf32, #tpu.memory_space<hbm>>
      %dma_wait3A_478 = arith.constant 0 : i32
      %dma_wait3A_479 = arith.constant 0 : i32
      %dma_wait3A_480 = tpu.memref_slice %arg3[%dma_wait3A_478, %dma_wait3A_479] : memref<320000x128xf32, #tpu.memory_space<hbm>> -> memref<80x128xf32, #tpu.memory_space<hbm>>
      tpu.wait_dma2 semaphore(%arg20 : memref<!tpu.dma_semaphore, #tpu.memory_space<semaphore_mem>>) src(%dma_wait3A_480 : memref<80x128xf32, #tpu.memory_space<hbm>>) dst(%arg12 : memref<80x128xf32, #tpu.memory_space<vmem>>)
      %dma_wait3A_481 = arith.constant 0 : i32
      %dma_wait3A_482 = arith.constant 0 : i32
      %dma_wait3A_483 = tpu.memref_slice %arg3[%dma_wait3A_481, %dma_wait3A_482] : memref<320000x128xf32, #tpu.memory_space<hbm>> -> memref<80x128xf32, #tpu.memory_space<hbm>>
      %dma_wait3A_484 = arith.constant 0 : i32
      %dma_wait3A_485 = arith.constant 0 : i32
      %dma_wait3A_486 = tpu.memref_slice %arg3[%dma_wait3A_484, %dma_wait3A_485] : memref<320000x128xf32, #tpu.memory_space<hbm>> -> memref<80x128xf32, #tpu.memory_space<hbm>>
      tpu.wait_dma2 semaphore(%arg22 : memref<!tpu.dma_semaphore, #tpu.memory_space<semaphore_mem>>) src(%dma_wait3A_486 : memref<80x128xf32, #tpu.memory_space<hbm>>) dst(%arg14 : memref<80x128xf32, #tpu.memory_space<vmem>>)
      %dma_wait3A_487 = arith.constant 0 : i32
      %dma_wait3A_488 = arith.constant 0 : i32
      %dma_wait3A_489 = tpu.memref_slice %arg7[%dma_wait3A_487, %dma_wait3A_488] : memref<2x80xi32, #tpu.memory_space<vmem>> -> memref<1x80xi32, #tpu.memory_space<vmem>>
      %dma_wait3A_490 = tpu.memref_squeeze %dma_wait3A_489 : memref<1x80xi32, #tpu.memory_space<vmem>> -> memref<80xi32, #tpu.memory_space<vmem>>
      %dma_wait3A_491 = arith.constant 0 : i32
      %dma_wait3A_492 = tpu.memref_slice %arg4[%dma_wait3A_491] : memref<640000xi32, #tpu.memory_space<hbm>> -> memref<80xi32, #tpu.memory_space<hbm>>
      %dma_wait3A_493 = arith.constant 0 : i32
      %dma_wait3A_494 = tpu.memref_slice %arg7[%dma_wait3A_487, %dma_wait3A_493] : memref<2x80xi32, #tpu.memory_space<vmem>> -> memref<1x80xi32, #tpu.memory_space<vmem>>
      %dma_wait3A_495 = tpu.memref_squeeze %dma_wait3A_494 : memref<1x80xi32, #tpu.memory_space<vmem>> -> memref<80xi32, #tpu.memory_space<vmem>>
      %dma_wait3A_496 = arith.constant 0 : i32
      %dma_wait3A_497 = tpu.memref_slice %arg4[%dma_wait3A_496] : memref<640000xi32, #tpu.memory_space<hbm>> -> memref<80xi32, #tpu.memory_space<hbm>>
      tpu.wait_dma2 semaphore(%arg15 : memref<!tpu.dma_semaphore, #tpu.memory_space<semaphore_mem>>) src(%dma_wait3A_497 : memref<80xi32, #tpu.memory_space<hbm>>) dst(%dma_wait3A_495 : memref<80xi32, #tpu.memory_space<vmem>>)
      %dma_wait3A_498 = arith.constant 1 : i32
      %dma_wait3A_499 = arith.constant 0 : i32
      %dma_wait3A_500 = tpu.memref_slice %arg7[%dma_wait3A_498, %dma_wait3A_499] : memref<2x80xi32, #tpu.memory_space<vmem>> -> memref<1x80xi32, #tpu.memory_space<vmem>>
      %dma_wait3A_501 = tpu.memref_squeeze %dma_wait3A_500 : memref<1x80xi32, #tpu.memory_space<vmem>> -> memref<80xi32, #tpu.memory_space<vmem>>
      %dma_wait3A_502 = arith.constant 0 : i32
      %dma_wait3A_503 = tpu.memref_slice %arg4[%dma_wait3A_502] : memref<640000xi32, #tpu.memory_space<hbm>> -> memref<80xi32, #tpu.memory_space<hbm>>
      %dma_wait3A_504 = arith.constant 0 : i32
      %dma_wait3A_505 = tpu.memref_slice %arg7[%dma_wait3A_498, %dma_wait3A_504] : memref<2x80xi32, #tpu.memory_space<vmem>> -> memref<1x80xi32, #tpu.memory_space<vmem>>
      %dma_wait3A_506 = tpu.memref_squeeze %dma_wait3A_505 : memref<1x80xi32, #tpu.memory_space<vmem>> -> memref<80xi32, #tpu.memory_space<vmem>>
      %dma_wait3A_507 = arith.constant 0 : i32
      %dma_wait3A_508 = tpu.memref_slice %arg4[%dma_wait3A_507] : memref<640000xi32, #tpu.memory_space<hbm>> -> memref<80xi32, #tpu.memory_space<hbm>>
      tpu.wait_dma2 semaphore(%arg15 : memref<!tpu.dma_semaphore, #tpu.memory_space<semaphore_mem>>) src(%dma_wait3A_508 : memref<80xi32, #tpu.memory_space<hbm>>) dst(%dma_wait3A_506 : memref<80xi32, #tpu.memory_space<vmem>>)
      %add3A_509 = arith.constant 1 : i32
      %add3A_510 = arith.addi %add3A_455, %add3A_509 : i32
      %mul3A_511 = arith.constant 80 : i32
      %mul3A_512 = arith.muli %add3A_510, %mul3A_511 : i32
      %add3A_513 = arith.addi %mul3A_2, %mul3A_512 : i32
      %dma_start3A_514 = arith.constant 0 : i32
      %dma_start3A_515 = arith.constant 0 : i32
      %dma_start3A_516 = tpu.memref_slice %arg7[%dma_start3A_514, %dma_start3A_515] : memref<2x80xi32, #tpu.memory_space<vmem>> -> memref<1x80xi32, #tpu.memory_space<vmem>>
      %dma_start3A_517 = tpu.memref_squeeze %dma_start3A_516 : memref<1x80xi32, #tpu.memory_space<vmem>> -> memref<80xi32, #tpu.memory_space<vmem>>
      %dma_start3A_518 = arith.constant 0 : i32
      %dma_start3A_519 = arith.constant 0 : i32
      %dma_start3A_520 = tpu.memref_slice %arg2[%dma_start3A_518, %dma_start3A_519] : memref<10000x128xf32, #tpu.memory_space<hbm>> -> memref<10000x128xf32, #tpu.memory_space<hbm>>
      tpu.enqueue_indirect_dma source(%dma_start3A_520 : memref<10000x128xf32, #tpu.memory_space<hbm>>) target(%arg11 : memref<80x128xf32, #tpu.memory_space<vmem>>) offsets(%dma_start3A_517 : memref<80xi32, #tpu.memory_space<vmem>>) semaphore(%arg19 : memref<!tpu.dma_semaphore, #tpu.memory_space<semaphore_mem>>)
      %dma_start3A_521 = arith.constant 0 : i32
      %dma_start3A_522 = tpu.memref_slice %arg3[%add3A_513, %dma_start3A_521] : memref<320000x128xf32, #tpu.memory_space<hbm>> -> memref<80x128xf32, #tpu.memory_space<hbm>>
      %dma_start3A_523 = arith.constant 0 : i32
      %dma_start3A_524 = tpu.memref_slice %arg3[%add3A_513, %dma_start3A_523] : memref<320000x128xf32, #tpu.memory_space<hbm>> -> memref<80x128xf32, #tpu.memory_space<hbm>>
      tpu.enqueue_dma source(%dma_start3A_524 : memref<80x128xf32, #tpu.memory_space<hbm>>) target(%arg13 : memref<80x128xf32, #tpu.memory_space<vmem>>) target_semaphore(%arg21 : memref<!tpu.dma_semaphore, #tpu.memory_space<semaphore_mem>>)
      %dma_start3A_525 = arith.constant 1 : i32
      %dma_start3A_526 = arith.constant 0 : i32
      %dma_start3A_527 = tpu.memref_slice %arg10[%dma_start3A_525, %dma_start3A_526] : memref<2x80xi32, #tpu.memory_space<vmem>> -> memref<1x80xi32, #tpu.memory_space<vmem>>
      %dma_start3A_528 = tpu.memref_squeeze %dma_start3A_527 : memref<1x80xi32, #tpu.memory_space<vmem>> -> memref<80xi32, #tpu.memory_space<vmem>>
      %dma_start3A_529 = arith.constant 0 : i32
      %dma_start3A_530 = arith.constant 0 : i32
      %dma_start3A_531 = tpu.memref_slice %arg6[%dma_start3A_529, %dma_start3A_530] : memref<10000x128xf32, #tpu.memory_space<vmem_shared>> -> memref<10000x128xf32, #tpu.memory_space<vmem_shared>>
      tpu.enqueue_indirect_dma source(%arg12 : memref<80x128xf32, #tpu.memory_space<vmem>>) target(%dma_start3A_531 : memref<10000x128xf32, #tpu.memory_space<vmem_shared>>) offsets(%dma_start3A_528 : memref<80xi32, #tpu.memory_space<vmem>>) semaphore(%arg24 : memref<!tpu.dma_semaphore, #tpu.memory_space<semaphore_mem>>) {add = true}
      %dma_start3A_532 = arith.constant 1 : i32
      %dma_start3A_533 = arith.constant 0 : i32
      %dma_start3A_534 = tpu.memref_slice %arg10[%dma_start3A_532, %dma_start3A_533] : memref<2x80xi32, #tpu.memory_space<vmem>> -> memref<1x80xi32, #tpu.memory_space<vmem>>
      %dma_start3A_535 = tpu.memref_squeeze %dma_start3A_534 : memref<1x80xi32, #tpu.memory_space<vmem>> -> memref<80xi32, #tpu.memory_space<vmem>>
      %dma_start3A_536 = arith.constant 0 : i32
      %dma_start3A_537 = arith.constant 0 : i32
      %dma_start3A_538 = tpu.memref_slice %arg6[%dma_start3A_536, %dma_start3A_537] : memref<10000x128xf32, #tpu.memory_space<vmem_shared>> -> memref<10000x128xf32, #tpu.memory_space<vmem_shared>>
      tpu.enqueue_indirect_dma source(%arg14 : memref<80x128xf32, #tpu.memory_space<vmem>>) target(%dma_start3A_538 : memref<10000x128xf32, #tpu.memory_space<vmem_shared>>) offsets(%dma_start3A_535 : memref<80xi32, #tpu.memory_space<vmem>>) semaphore(%arg24 : memref<!tpu.dma_semaphore, #tpu.memory_space<semaphore_mem>>) {add = true}
      %scan3A_539 = arith.constant 0 : i32
      scf.yield %scan3A_539 : i32
    }
    %scan3A_105 = arith.constant 31 : i32
    %dma_wait3A_106 = arith.constant 0 : i32
    %dma_wait3A_107 = arith.constant 0 : i32
    %dma_wait3A_108 = tpu.memref_slice %arg3[%dma_wait3A_106, %dma_wait3A_107] : memref<320000x128xf32, #tpu.memory_space<hbm>> -> memref<80x128xf32, #tpu.memory_space<hbm>>
    %dma_wait3A_109 = arith.constant 0 : i32
    %dma_wait3A_110 = arith.constant 0 : i32
    %dma_wait3A_111 = tpu.memref_slice %arg3[%dma_wait3A_109, %dma_wait3A_110] : memref<320000x128xf32, #tpu.memory_space<hbm>> -> memref<80x128xf32, #tpu.memory_space<hbm>>
    tpu.wait_dma2 semaphore(%arg24 : memref<!tpu.dma_semaphore, #tpu.memory_space<semaphore_mem>>) src(%dma_wait3A_111 : memref<80x128xf32, #tpu.memory_space<hbm>>) dst(%arg12 : memref<80x128xf32, #tpu.memory_space<vmem>>)
    %dma_wait3A_112 = arith.constant 0 : i32
    %dma_wait3A_113 = arith.constant 0 : i32
    %dma_wait3A_114 = tpu.memref_slice %arg3[%dma_wait3A_112, %dma_wait3A_113] : memref<320000x128xf32, #tpu.memory_space<hbm>> -> memref<80x128xf32, #tpu.memory_space<hbm>>
    %dma_wait3A_115 = arith.constant 0 : i32
    %dma_wait3A_116 = arith.constant 0 : i32
    %dma_wait3A_117 = tpu.memref_slice %arg3[%dma_wait3A_115, %dma_wait3A_116] : memref<320000x128xf32, #tpu.memory_space<hbm>> -> memref<80x128xf32, #tpu.memory_space<hbm>>
    tpu.wait_dma2 semaphore(%arg24 : memref<!tpu.dma_semaphore, #tpu.memory_space<semaphore_mem>>) src(%dma_wait3A_117 : memref<80x128xf32, #tpu.memory_space<hbm>>) dst(%arg14 : memref<80x128xf32, #tpu.memory_space<vmem>>)
    %dma_wait3A_118 = arith.constant 0 : i32
    %dma_wait3A_119 = arith.constant 0 : i32
    %dma_wait3A_120 = tpu.memref_slice %arg3[%dma_wait3A_118, %dma_wait3A_119] : memref<320000x128xf32, #tpu.memory_space<hbm>> -> memref<80x128xf32, #tpu.memory_space<hbm>>
    %dma_wait3A_121 = arith.constant 0 : i32
    %dma_wait3A_122 = arith.constant 0 : i32
    %dma_wait3A_123 = tpu.memref_slice %arg3[%dma_wait3A_121, %dma_wait3A_122] : memref<320000x128xf32, #tpu.memory_space<hbm>> -> memref<80x128xf32, #tpu.memory_space<hbm>>
    tpu.wait_dma2 semaphore(%arg19 : memref<!tpu.dma_semaphore, #tpu.memory_space<semaphore_mem>>) src(%dma_wait3A_123 : memref<80x128xf32, #tpu.memory_space<hbm>>) dst(%arg11 : memref<80x128xf32, #tpu.memory_space<vmem>>)
    %dma_wait3A_124 = arith.constant 0 : i32
    %dma_wait3A_125 = arith.constant 0 : i32
    %dma_wait3A_126 = tpu.memref_slice %arg3[%dma_wait3A_124, %dma_wait3A_125] : memref<320000x128xf32, #tpu.memory_space<hbm>> -> memref<80x128xf32, #tpu.memory_space<hbm>>
    %dma_wait3A_127 = arith.constant 0 : i32
    %dma_wait3A_128 = arith.constant 0 : i32
    %dma_wait3A_129 = tpu.memref_slice %arg3[%dma_wait3A_127, %dma_wait3A_128] : memref<320000x128xf32, #tpu.memory_space<hbm>> -> memref<80x128xf32, #tpu.memory_space<hbm>>
    tpu.wait_dma2 semaphore(%arg21 : memref<!tpu.dma_semaphore, #tpu.memory_space<semaphore_mem>>) src(%dma_wait3A_129 : memref<80x128xf32, #tpu.memory_space<hbm>>) dst(%arg13 : memref<80x128xf32, #tpu.memory_space<vmem>>)
    %dma_start3A_130 = arith.constant 1 : i32
    %dma_start3A_131 = arith.constant 0 : i32
    %dma_start3A_132 = tpu.memref_slice %arg7[%dma_start3A_130, %dma_start3A_131] : memref<2x80xi32, #tpu.memory_space<vmem>> -> memref<1x80xi32, #tpu.memory_space<vmem>>
    %dma_start3A_133 = tpu.memref_squeeze %dma_start3A_132 : memref<1x80xi32, #tpu.memory_space<vmem>> -> memref<80xi32, #tpu.memory_space<vmem>>
    %dma_start3A_134 = arith.constant 0 : i32
    %dma_start3A_135 = arith.constant 0 : i32
    %dma_start3A_136 = tpu.memref_slice %arg6[%dma_start3A_134, %dma_start3A_135] : memref<10000x128xf32, #tpu.memory_space<vmem_shared>> -> memref<10000x128xf32, #tpu.memory_space<vmem_shared>>
    tpu.enqueue_indirect_dma source(%arg11 : memref<80x128xf32, #tpu.memory_space<vmem>>) target(%dma_start3A_136 : memref<10000x128xf32, #tpu.memory_space<vmem_shared>>) offsets(%dma_start3A_133 : memref<80xi32, #tpu.memory_space<vmem>>) semaphore(%arg23 : memref<!tpu.dma_semaphore, #tpu.memory_space<semaphore_mem>>) {add = true}
    %dma_start3A_137 = arith.constant 1 : i32
    %dma_start3A_138 = arith.constant 0 : i32
    %dma_start3A_139 = tpu.memref_slice %arg7[%dma_start3A_137, %dma_start3A_138] : memref<2x80xi32, #tpu.memory_space<vmem>> -> memref<1x80xi32, #tpu.memory_space<vmem>>
    %dma_start3A_140 = tpu.memref_squeeze %dma_start3A_139 : memref<1x80xi32, #tpu.memory_space<vmem>> -> memref<80xi32, #tpu.memory_space<vmem>>
    %dma_start3A_141 = arith.constant 0 : i32
    %dma_start3A_142 = arith.constant 0 : i32
    %dma_start3A_143 = tpu.memref_slice %arg6[%dma_start3A_141, %dma_start3A_142] : memref<10000x128xf32, #tpu.memory_space<vmem_shared>> -> memref<10000x128xf32, #tpu.memory_space<vmem_shared>>
    tpu.enqueue_indirect_dma source(%arg13 : memref<80x128xf32, #tpu.memory_space<vmem>>) target(%dma_start3A_143 : memref<10000x128xf32, #tpu.memory_space<vmem_shared>>) offsets(%dma_start3A_140 : memref<80xi32, #tpu.memory_space<vmem>>) semaphore(%arg23 : memref<!tpu.dma_semaphore, #tpu.memory_space<semaphore_mem>>) {add = true}
    %dma_wait3A_144 = arith.constant 0 : i32
    %dma_wait3A_145 = arith.constant 0 : i32
    %dma_wait3A_146 = tpu.memref_slice %arg3[%dma_wait3A_144, %dma_wait3A_145] : memref<320000x128xf32, #tpu.memory_space<hbm>> -> memref<80x128xf32, #tpu.memory_space<hbm>>
    %dma_wait3A_147 = arith.constant 0 : i32
    %dma_wait3A_148 = arith.constant 0 : i32
    %dma_wait3A_149 = tpu.memref_slice %arg3[%dma_wait3A_147, %dma_wait3A_148] : memref<320000x128xf32, #tpu.memory_space<hbm>> -> memref<80x128xf32, #tpu.memory_space<hbm>>
    tpu.wait_dma2 semaphore(%arg23 : memref<!tpu.dma_semaphore, #tpu.memory_space<semaphore_mem>>) src(%dma_wait3A_149 : memref<80x128xf32, #tpu.memory_space<hbm>>) dst(%arg11 : memref<80x128xf32, #tpu.memory_space<vmem>>)
    %dma_wait3A_150 = arith.constant 0 : i32
    %dma_wait3A_151 = arith.constant 0 : i32
    %dma_wait3A_152 = tpu.memref_slice %arg3[%dma_wait3A_150, %dma_wait3A_151] : memref<320000x128xf32, #tpu.memory_space<hbm>> -> memref<80x128xf32, #tpu.memory_space<hbm>>
    %dma_wait3A_153 = arith.constant 0 : i32
    %dma_wait3A_154 = arith.constant 0 : i32
    %dma_wait3A_155 = tpu.memref_slice %arg3[%dma_wait3A_153, %dma_wait3A_154] : memref<320000x128xf32, #tpu.memory_space<hbm>> -> memref<80x128xf32, #tpu.memory_space<hbm>>
    tpu.wait_dma2 semaphore(%arg23 : memref<!tpu.dma_semaphore, #tpu.memory_space<semaphore_mem>>) src(%dma_wait3A_155 : memref<80x128xf32, #tpu.memory_space<hbm>>) dst(%arg13 : memref<80x128xf32, #tpu.memory_space<vmem>>)
    %barrier3A_156 = arith.constant 0 : index
    tpu.barrier barrier_id(%barrier3A_156)
    "tpu.region"() ({
      %run_scoped3A = tpu.sem_alloc : memref<!tpu.dma_semaphore, #tpu.memory_space<semaphore_mem>>
      %dma_start3A_162 = arith.constant 0 : i32
      %dma_start3A_163 = tpu.memref_slice %arg5[%arg0, %mul3A_4, %dma_start3A_162] : memref<2x10000x128xf32, #tpu.memory_space<hbm>> -> memref<1x624x128xf32, #tpu.memory_space<hbm>>
      %dma_start3A_164 = tpu.memref_squeeze %dma_start3A_163 : memref<1x624x128xf32, #tpu.memory_space<hbm>> -> memref<624x128xf32, #tpu.memory_space<hbm>>
      %dma_start3A_165 = arith.constant 0 : i32
      %dma_start3A_166 = tpu.memref_slice %arg6[%mul3A_4, %dma_start3A_165] : memref<10000x128xf32, #tpu.memory_space<vmem_shared>> -> memref<624x128xf32, #tpu.memory_space<vmem_shared>>
      tpu.enqueue_dma source(%dma_start3A_166 : memref<624x128xf32, #tpu.memory_space<vmem_shared>>) target(%dma_start3A_164 : memref<624x128xf32, #tpu.memory_space<hbm>>) target_semaphore(%run_scoped3A : memref<!tpu.dma_semaphore, #tpu.memory_space<semaphore_mem>>)
      %dma_wait3A_167 = arith.constant 0 : i32
      %dma_wait3A_168 = tpu.memref_slice %arg5[%arg0, %mul3A_4, %dma_wait3A_167] : memref<2x10000x128xf32, #tpu.memory_space<hbm>> -> memref<1x624x128xf32, #tpu.memory_space<hbm>>
      %dma_wait3A_169 = tpu.memref_squeeze %dma_wait3A_168 : memref<1x624x128xf32, #tpu.memory_space<hbm>> -> memref<624x128xf32, #tpu.memory_space<hbm>>
      %dma_wait3A_170 = arith.constant 0 : i32
      %dma_wait3A_171 = tpu.memref_slice %arg6[%mul3A_4, %dma_wait3A_170] : memref<10000x128xf32, #tpu.memory_space<vmem_shared>> -> memref<624x128xf32, #tpu.memory_space<vmem_shared>>
      tpu.wait_dma2 semaphore(%run_scoped3A : memref<!tpu.dma_semaphore, #tpu.memory_space<semaphore_mem>>) src(%dma_wait3A_171 : memref<624x128xf32, #tpu.memory_space<vmem_shared>>) dst(%dma_wait3A_169 : memref<624x128xf32, #tpu.memory_space<hbm>>)
      tpu.yield
    }) : () -> ()
    %eq3A_157 = arith.constant 15 : i32
    %eq3A_158 = arith.cmpi eq, %arg1, %eq3A_157 : i32
    %convert_element_type3A_159 = arith.extui %eq3A_158 : i1 to i32
    %cond3A_160 = arith.constant 0 : i32
    %cond3A_161 = arith.cmpi ne, %convert_element_type3A_159, %cond3A_160 : i32
    scf.if %cond3A_161 {
      "tpu.region"() ({
        %run_scoped3A = tpu.sem_alloc : memref<!tpu.dma_semaphore, #tpu.memory_space<semaphore_mem>>
        %dma_start3A_162 = arith.constant 9984 : i32
        %dma_start3A_163 = arith.constant 0 : i32
        %dma_start3A_164 = tpu.memref_slice %arg5[%arg0, %dma_start3A_162, %dma_start3A_163] : memref<2x10000x128xf32, #tpu.memory_space<hbm>> -> memref<1x16x128xf32, #tpu.memory_space<hbm>>
        %dma_start3A_165 = tpu.memref_squeeze %dma_start3A_164 : memref<1x16x128xf32, #tpu.memory_space<hbm>> -> memref<16x128xf32, #tpu.memory_space<hbm>>
        %dma_start3A_166 = arith.constant 9984 : i32
        %dma_start3A_167 = arith.constant 0 : i32
        %dma_start3A_168 = tpu.memref_slice %arg6[%dma_start3A_166, %dma_start3A_167] : memref<10000x128xf32, #tpu.memory_space<vmem_shared>> -> memref<16x128xf32, #tpu.memory_space<vmem_shared>>
        tpu.enqueue_dma source(%dma_start3A_168 : memref<16x128xf32, #tpu.memory_space<vmem_shared>>) target(%dma_start3A_165 : memref<16x128xf32, #tpu.memory_space<hbm>>) target_semaphore(%run_scoped3A : memref<!tpu.dma_semaphore, #tpu.memory_space<semaphore_mem>>)
        %dma_wait3A_169 = arith.constant 9984 : i32
        %dma_wait3A_170 = arith.constant 0 : i32
        %dma_wait3A_171 = tpu.memref_slice %arg5[%arg0, %dma_wait3A_169, %dma_wait3A_170] : memref<2x10000x128xf32, #tpu.memory_space<hbm>> -> memref<1x16x128xf32, #tpu.memory_space<hbm>>
        %dma_wait3A_172 = tpu.memref_squeeze %dma_wait3A_171 : memref<1x16x128xf32, #tpu.memory_space<hbm>> -> memref<16x128xf32, #tpu.memory_space<hbm>>
        %dma_wait3A_173 = arith.constant 9984 : i32
        %dma_wait3A_174 = arith.constant 0 : i32
        %dma_wait3A_175 = tpu.memref_slice %arg6[%dma_wait3A_173, %dma_wait3A_174] : memref<10000x128xf32, #tpu.memory_space<vmem_shared>> -> memref<16x128xf32, #tpu.memory_space<vmem_shared>>
        tpu.wait_dma2 semaphore(%run_scoped3A : memref<!tpu.dma_semaphore, #tpu.memory_space<semaphore_mem>>) src(%dma_wait3A_175 : memref<16x128xf32, #tpu.memory_space<vmem_shared>>) dst(%dma_wait3A_172 : memref<16x128xf32, #tpu.memory_space<hbm>>)
        tpu.yield
      }) : () -> ()
    } else {
    }
    return
  }
}

module attributes {stable_mosaic.version = 14 : i64} {
  func.func @_mlp_body(%arg0: i32, %arg1: memref<2x2000x128xf32, #tpu.memory_space<vmem>>, %arg2: memref<128x128xf32, #tpu.memory_space<vmem>>, %arg3: memref<1x128xf32, #tpu.memory_space<vmem>>, %arg4: memref<128x128xf32, #tpu.memory_space<vmem>>, %arg5: memref<1x128xf32, #tpu.memory_space<vmem>>, %arg6: memref<2000x128xf32, #tpu.memory_space<vmem>>) attributes {dimension_semantics = [#tpu.dimension_semantics<arbitrary>], iteration_bounds = array<i64: 5>, scalar_prefetch = 0 : i64, scratch_operands = 0 : i64, tpu.core_type = #tpu.core_type<tc>, window_params = [{transform_indices = @transform_0, window_bounds = array<i64: 2, 2000, 128>}, {pipeline_mode = #tpu.pipeline_mode<synchronous>, transform_indices = @transform_1, window_bounds = array<i64: 128, 128>}, {pipeline_mode = #tpu.pipeline_mode<synchronous>, transform_indices = @transform_2, window_bounds = array<i64: 1, 128>}, {pipeline_mode = #tpu.pipeline_mode<synchronous>, transform_indices = @transform_3, window_bounds = array<i64: 128, 128>}, {pipeline_mode = #tpu.pipeline_mode<synchronous>, transform_indices = @transform_4, window_bounds = array<i64: 1, 128>}, {transform_indices = @transform_5, window_bounds = array<i64: 2000, 128>}]} {
    %get3A = arith.constant 0 : index
    %get3A_0 = arith.constant 0 : index
    %get3A_1 = arith.constant 0 : index
    %get3A_2 = vector.load %arg1[%get3A, %get3A_0, %get3A_1] : memref<2x2000x128xf32, #tpu.memory_space<vmem>>, vector<1x2000x128xf32>
    %get3A_3 = vector.shape_cast %get3A_2 : vector<1x2000x128xf32> to vector<2000x128xf32>
    %get3A_4 = arith.constant 1 : index
    %get3A_5 = arith.constant 0 : index
    %get3A_6 = arith.constant 0 : index
    %get3A_7 = vector.load %arg1[%get3A_4, %get3A_5, %get3A_6] : memref<2x2000x128xf32, #tpu.memory_space<vmem>>, vector<1x2000x128xf32>
    %get3A_8 = vector.shape_cast %get3A_7 : vector<1x2000x128xf32> to vector<2000x128xf32>
    %add3A = arith.addf %get3A_3, %get3A_8 : vector<2000x128xf32>
    %get3A_9 = arith.constant 0 : index
    %get3A_10 = arith.constant 0 : index
    %get3A_11 = vector.load %arg2[%get3A_9, %get3A_10] : memref<128x128xf32, #tpu.memory_space<vmem>>, vector<128x128xf32>
    %dot_general3A = arith.constant dense<0.000000e+00> : vector<2000x128xf32>
    %dot_general3A_12 = tpu.matmul %add3A, %get3A_11, %dot_general3A {dimension_numbers = #tpu.dot_dimension_numbers<[1], [0], [0], [1], [0, 0, 1, 1], [], []>, transpose_lhs_hint = false} : vector<2000x128xf32>, vector<128x128xf32>, vector<2000x128xf32> -> vector<2000x128xf32>
    %get3A_13 = arith.constant 0 : index
    %get3A_14 = arith.constant 0 : index
    %get3A_15 = vector.load %arg3[%get3A_13, %get3A_14] : memref<1x128xf32, #tpu.memory_space<vmem>>, vector<1x128xf32>
    %add3A_16 = vector.broadcast %get3A_15 : vector<1x128xf32> to vector<2000x128xf32>
    %add3A_17 = arith.addf %dot_general3A_12, %add3A_16 : vector<2000x128xf32>
    %max3A = arith.constant 0.000000e+00 : f32
    %max3A_18 = vector.broadcast %max3A : f32 to vector<2000x128xf32>
    %max3A_19 = arith.maximumf %add3A_17, %max3A_18 : vector<2000x128xf32>
    %get3A_20 = arith.constant 0 : index
    %get3A_21 = arith.constant 0 : index
    %get3A_22 = vector.load %arg4[%get3A_20, %get3A_21] : memref<128x128xf32, #tpu.memory_space<vmem>>, vector<128x128xf32>
    %dot_general3A_23 = arith.constant dense<0.000000e+00> : vector<2000x128xf32>
    %dot_general3A_24 = tpu.matmul %max3A_19, %get3A_22, %dot_general3A_23 {dimension_numbers = #tpu.dot_dimension_numbers<[1], [0], [0], [1], [0, 0, 1, 1], [], []>, transpose_lhs_hint = false} : vector<2000x128xf32>, vector<128x128xf32>, vector<2000x128xf32> -> vector<2000x128xf32>
    %get3A_25 = arith.constant 0 : index
    %get3A_26 = arith.constant 0 : index
    %get3A_27 = vector.load %arg5[%get3A_25, %get3A_26] : memref<1x128xf32, #tpu.memory_space<vmem>>, vector<1x128xf32>
    %add3A_28 = vector.broadcast %get3A_27 : vector<1x128xf32> to vector<2000x128xf32>
    %add3A_29 = arith.addf %dot_general3A_24, %add3A_28 : vector<2000x128xf32>
    %swap3A = arith.constant 0 : index
    %swap3A_30 = arith.constant 0 : index
    %swap3A_31 = vector.load %arg6[%swap3A, %swap3A_30] : memref<2000x128xf32, #tpu.memory_space<vmem>>, vector<2000x128xf32>
    tpu.vector_store %arg6[%swap3A, %swap3A_30], %add3A_29 {strides = array<i32>} : memref<2000x128xf32, #tpu.memory_space<vmem>>, vector<2000x128xf32>,
    return
  }
  func.func @transform_0(%arg0: i32) -> (i32, i32, i32) {
    %c0_i32 = arith.constant 0 : i32
    %c0_i32_0 = arith.constant 0 : i32
    %c0_i32_1 = arith.constant 0 : i32
    return %c0_i32, %arg0, %c0_i32_0 : i32, i32, i32
  }
  func.func @transform_1(%arg0: i32) -> (i32, i32) {
    %c0_i32 = arith.constant 0 : i32
    %c0_i32_0 = arith.constant 0 : i32
    %c0_i32_1 = arith.constant 0 : i32
    return %c0_i32, %c0_i32_0 : i32, i32
  }
  func.func @transform_2(%arg0: i32) -> (i32, i32) {
    %c0_i32 = arith.constant 0 : i32
    %c0_i32_0 = arith.constant 0 : i32
    %c0_i32_1 = arith.constant 0 : i32
    return %c0_i32, %c0_i32_0 : i32, i32
  }
  func.func @transform_3(%arg0: i32) -> (i32, i32) {
    %c0_i32 = arith.constant 0 : i32
    %c0_i32_0 = arith.constant 0 : i32
    %c0_i32_1 = arith.constant 0 : i32
    return %c0_i32, %c0_i32_0 : i32, i32
  }
  func.func @transform_4(%arg0: i32) -> (i32, i32) {
    %c0_i32 = arith.constant 0 : i32
    %c0_i32_0 = arith.constant 0 : i32
    %c0_i32_1 = arith.constant 0 : i32
    return %c0_i32, %c0_i32_0 : i32, i32
  }
  func.func @transform_5(%arg0: i32) -> (i32, i32) {
    %c0_i32 = arith.constant 0 : i32
    %c0_i32_0 = arith.constant 0 : i32
    return %arg0, %c0_i32 : i32, i32
  }
}

</mosaic_0001>

<sc_bundles>
// kernel: kernel.4.cloned.1.call-start
scs
__scs_entry_jumppad:
0x0: {  	(pc) =	sbr.rel $0x88, $3  }
0x1: {  	(tag) =	ssettag $0x0;
	lr =	simm.s32 $0x1  }
0x2: {  	[smem:$0x3F9A] =	sst lr;
	_ =	strace $0xD0000000  }
0x3: {  	_ = 	snop  }
0x4: {  	_ = 	snop  }
0x5: {  	_ = 	snop  }
0x6: {  	_ = 	snop  }
0x7: {  	_ = 	snop  }
__scs_overlays_trampoline_lowered:
0x8: {  	[smem:$0x3FA9] =	sst s0  }
0x9: {  	[smem:$0x3FAA] =	sst s1  }
0xa: {  	[smem:$0x3FAB] =	sst s2  }
0xb: {  	[smem:$0x3FAC] =	sst s3  }
0xc: {  	[smem:$0x3FAD] =	sst s4  }
0xd: {  	[smem:$0x3FAE] =	sst s5  }
0xe: {  	[smem:$0x3FAF] =	sst s6  }
0xf: {  	[smem:$0x3FB0] =	sst s7  }
0x10: {  	[smem:$0x3FB1] =	sst s8  }
0x11: {  	[smem:$0x3FB2] =	sst s9;
	s0 =	simm.s32 @!p0 $0x0  }
0x12: {  	s1 =	sld [smem:$0x3F98];
	s0 =	simm.s32 @p0 $0x1  }
0x13: {  	[smem:$0x3FB3] =	sst s0;
	s0 =	simm.s32 @!p1 $0x0  }
0x14: {  	s2 =	sld [smem:$0x3F97];
	s0 =	simm.s32 @p1 $0x1  }
0x15: {  	[smem:$0x3FB4] =	sst s0;
	s0 =	simm.s32 @!p2 $0x0  }
0x16: {  	s3 =	sld [smem:$0x3FDB];
	s0 =	simm.s32 @p2 $0x1  }
0x17: {  	s4 =	simm.s32 $0x1BF5;
	[smem:$0x3FB6] =	sst s0  }
0x18: {  	s0 =	sld [smem:$0x3F99];
	_ =	swait.ge [sflag:s4], $0x0  }
0x19: {  	s7 =	sld [smem:$0x3F9A]  }
0x1a: {  	s8 =	sadd.s32 $0xFFFFE003, lr  }
0x1b: {  	s9 =	sadd.s32 $0xFFFFFEF7, lr;
	s5 =	simm.s32 $0xFFFFFFFF;
	p2 =	slt.u32 s8, $0xFFFFF086  }
0x1c: {  	p1 =	slt.u32 s9, $0xF7A;
	s5 =	simm.s32 @!p2 $0x0  }
0x1d: {  	s5 =	simm.s32 @p1 $0x1;
	p0 =	seq.s32 s7, s2  }
0x1e: {  	s7 =	smul.u32 @!p0 $0xF7A, s2;
	p2 =	seq.s32 @!p0 s5, $0x0  }
0x1f: {  	s9 =	smul.u32 $0xF7A, s1;
	s8 =	simm.s32 @!p0 $0x1BF5;
	p2 =	por !p2, p0  }
0x20: {  	[sflag:s8] =	ssyncset.s32 @!p0 $0xFFFFF086;
	s6 =	sadd.s32 @!p0 s3, s7;
	s7 =	simm.s32 @!p0 $0x108  }
0x21: {  	s3 =	sadd.s32 s3, s9;
	s6 =	sadd.s32 @!p0 $0x88, s6;
	s7 =	simm.s32 @p2 $0x1082  }
0x22: {  	[simem:s7], [sflag:s8] =	dma.local @!p0 [hbm:s6], $0xF7A  }
0x23: {  	s9 =	sor.u32 $0xD0000000, s2;
	s6 =	simm.s32 $0x108;
	_ =	swait.ge @!p0 [sflag:s8], $0x0  }
0x24: {  	s3 =	sadd.s32 $0x88, s3;
	s6 =	simm.s32 @!p1 $0x1082;
	[sflag:s4] =	ssyncset.s32 $0xFFFFF086  }
0x25: {  	[simem:s6], [sflag:s4] =	dma.local [hbm:s3], $0xF7A  }
0x26: {  	[smem:$0x3F9A] =	sst s1;
	(tag) =	ssettag s2;
	_ =	strace s9  }
0x27: {  	s1 =	sld [smem:$0x3FAA]  }
0x28: {  	s2 =	sld [smem:$0x3FAB]  }
0x29: {  	s4 =	sld [smem:$0x3FAD]  }
0x2a: {  	p0 =	seq.s32 s5, $0x0;
	s5 =	sld [smem:$0x3FAE]  }
0x2b: {  	s6 =	sld [smem:$0x3FAF]  }
0x2c: {  	s7 =	sld [smem:$0x3FB0]  }
0x2d: {  	s3 =	simm.s32 $0x108;
	s8 =	sld [smem:$0x3FB1]  }
0x2e: {  	s3 =	simm.s32 @!p0 $0x1082;
	s9 =	sld [smem:$0x3FB2]  }
0x2f: {  	lr =	sadd.s32 s0, s3;
	s0 =	sld [smem:$0x3FA9]  }
0x30: {  	s3 =	sld [smem:$0x3FAC]  }
0x31: {  	[smem:$0x3FB5] =	sst s10  }
0x32: {  	s10 =	sld [smem:$0x3FB3];
	_ =	sdelay $0x3  }
0x33: {  	p0 =	seq.s32 s10, $0x1;
	s10 =	sld [smem:$0x3FB5];
	_ =	sdelay $0x3  }
0x34: {  	[smem:$0x3FB5] =	sst s10  }
0x35: {  	s10 =	sld [smem:$0x3FB4];
	_ =	sdelay $0x3  }
0x36: {  	p1 =	seq.s32 s10, $0x1;
	s10 =	sld [smem:$0x3FB5];
	_ =	sdelay $0x3  }
0x37: {  	[smem:$0x3FB5] =	sst s10  }
0x38: {  	s10 =	sld [smem:$0x3FB6]  }
0x39: {  	_ = 	snop;
	(pc) =	sbr.ind lr, $3  }
0x3a: {  	_ = 	snop  }
0x3b: {  	_ = 	snop  }
0x3c: {  	p2 =	seq.s32 s10, $0x1;
	s10 =	sld [smem:$0x3FB5]  }
0x3d: {  	_ =	shalt  }
0x3e: {  	_ =	shalt  }
0x3f: {  	_ =	shalt  }
0x40: {  	_ =	shalt  }
0x41: {  	_ =	shalt  }
0x42: {  	_ =	shalt  }
0x43: {  	_ =	shalt  }
0x44: {  	_ =	shalt  }
0x45: {  	_ =	shalt  }
0x46: {  	_ =	shalt  }
0x47: {  	_ =	shalt  }
0x48: {  	_ =	shalt  }
0x49: {  	_ =	shalt  }
0x4a: {  	_ =	shalt  }
0x4b: {  	_ =	shalt  }
0x4c: {  	_ =	shalt  }
0x4d: {  	_ =	shalt  }
0x4e: {  	_ =	shalt  }
0x4f: {  	_ =	shalt  }
0x50: {  	_ =	shalt  }
0x51: {  	_ =	shalt  }
0x52: {  	_ =	shalt  }
0x53: {  	_ =	shalt  }
0x54: {  	_ =	shalt  }
0x55: {  	_ =	shalt  }
0x56: {  	_ =	shalt  }
0x57: {  	_ =	shalt  }
0x58: {  	_ =	shalt  }
0x59: {  	_ =	shalt  }
0x5a: {  	_ =	shalt  }
0x5b: {  	_ =	shalt  }
0x5c: {  	_ =	shalt  }
0x5d: {  	_ =	shalt  }
0x5e: {  	_ =	shalt  }
0x5f: {  	_ =	shalt  }
0x60: {  	_ =	shalt  }
0x61: {  	_ =	shalt  }
0x62: {  	_ =	shalt  }
0x63: {  	_ =	shalt  }
0x64: {  	_ =	shalt  }
0x65: {  	_ =	shalt  }
0x66: {  	_ =	shalt  }
0x67: {  	_ =	shalt  }
0x68: {  	_ =	shalt  }
0x69: {  	_ =	shalt  }
0x6a: {  	_ =	shalt  }
0x6b: {  	_ =	shalt  }
0x6c: {  	_ =	shalt  }
0x6d: {  	_ =	shalt  }
0x6e: {  	_ =	shalt  }
0x6f: {  	_ =	shalt  }
0x70: {  	_ =	shalt  }
0x71: {  	_ =	shalt  }
0x72: {  	_ =	shalt  }
0x73: {  	_ =	shalt  }
0x74: {  	_ =	shalt  }
0x75: {  	_ =	shalt  }
0x76: {  	_ =	shalt  }
0x77: {  	_ =	shalt  }
0x78: {  	_ =	shalt  }
0x79: {  	_ =	shalt  }
0x7a: {  	_ =	shalt  }
0x7b: {  	_ =	shalt  }
0x7c: {  	_ =	shalt  }
0x7d: {  	_ =	shalt  }
0x7e: {  	_ =	shalt  }
0x7f: {  	_ =	shalt  }
0x80: {  	_ =	shalt  }
0x81: {  	_ =	shalt  }
0x82: {  	_ =	shalt  }
0x83: {  	_ =	shalt  }
0x84: {  	_ =	shalt  }
0x85: {  	_ =	shalt  }
0x86: {  	_ =	shalt  }
0x87: {  	_ =	shalt  }
.Lfunc_end0:
.L_simem_size_0:
called_computation_lowered:
.L_overlay_start_0:
0x88: {  	s2 =	sld [smem:$0x3FD9]  }
0x89: {  	s3 =	sld [smem:$0x3FFE];
	_ =	sdelay $0x1  }
0x8a: {  	s1 =	srdreg.scid  }
0x8b: {  	s0 =	sand.u32 $0x1, s1  }
0x8c: {  	s17 =	sshll.u32 s0, $0xA;
	s2 =	sadd.s32 s3, s2  }
0x8d: {  	s2 =	sadd.s32 s2, s17  }
0x8e: {  	[smem:$0x3FC1] =	sst s2  }
0x8f: {  	_ = 	snop  }
0x90: {  	s2 =	sld [smem:$0x3FC9]  }
0x91: {  	s18 =	sld [smem:$0x3FC8]  }
0x92: {  	s4 =	sld [smem:$0x3FD0];
	(tm) =	ssettm $0x1  }
0x93: {  	s5 =	sld [smem:$0x3FFB];
	_ =	sdelay $0x3  }
0x94: {  	_ =	strace s5  }
0x95: {  	s5 =	sld [smem:$0x3FFC];
	_ =	sdelay $0x3  }
0x96: {  	_ =	strace s5  }
0x97: {  	s5 =	sld [smem:$0x3FFD];
	_ =	sdelay $0x3  }
0x98: {  	_ =	strace s5  }
0x99: {  	_ =	strace $0x8FFFFFFF  }
0x9a: {  	s19 =	sld [smem:$0x3FDB];
	_ =	sdelay $0x1  }
0x9b: {  	s6 =	simm.s32 $_scs_section_size  }
0x9c: {  	s7 =	simm.s32 $_size__tile_overlayer_lowered;
	s8 =	simm.s32 $_tile_overlayer_lowered  }
0x9d: {  	s22 =	simm.s32 $0x1BFF;
	s21 =	sshll.u32 s8, $0x1;
	s5 =	sadd.s32 s6, s19  }
0x9e: {  	s9 =	simm.s32 $0x0;
	s20 =	sshll.u32 s7, $0x1;
	s7 =	sadd.s32 s21, s5  }
0x9f: {  	[timem:s9], [sflag:s22] =	dma.local [hbm:s7], s20  }
0xa0: {  	_ =	swait.ge [sflag:s22], s20  }
0xa1: {  	s6 =	ssub.s32 $0x0, s20;
	[sflag:s22] =	ssyncset.done $0x0  }
0xa2: {  	[sflag:s22] =	ssyncadd.s32 s6;
	_ =	sdelay $0x1  }
0xa3: {  	s23 =	simm.s32 $0x1B8B  }
0xa4: {  	_ =	swait.ge [sflag:s23], $0x1  }
0xa5: {  	[sflag:s23] =	ssyncset.done $0x0  }
0xa6: {  	s25 =	simm.s32 $0x1B8E;
	s24 =	sld [smem:$0x3FFE];
	[sflag:s23] =	ssyncadd.s32 $0xFFFFFFFF  }
0xa7: {  	s26 =	simm.s32 $execute0_lowered;
	[smem:$0x3FD2] =	sst s25  }
0xa8: {  	s7 =	sshll.u32 s26, $0x1;
	_ =	strace $0x80000046;
	[dreg:$0x1] =	wrdreg $0xFFFFFFFF  }
0xa9: {  	s28 =	simm.s32 $_size_execute0_lowered;
	s5 =	sadd.s32 s5, s7;
	[dreg:$0x0] =	wrdreg $0x0  }
0xaa: {  	s7 =	sshll.u32 s28, $0x1;
	[dreg:$0x2] =	wrdreg s5  }
0xab: {  	[dreg:$0x3] =	wrdreg s7  }
0xac: {  	[dreg:$0x4] =	wrdreg $0xC0  }
0xad: {  	_ =	task [dreg:s9], $0x5FFFF  }
0xae: {  	[dreg:$0x1] =	wrdreg $0xFFFFFFFF  }
0xaf: {  	[dreg:$0x0] =	wrdreg $0x60  }
0xb0: {  	[dreg:$0x2] =	wrdreg s2  }
0xb1: {  	[dreg:$0x3] =	wrdreg s18  }
0xb2: {  	[dreg:$0x4] =	wrdreg s4  }
0xb3: {  	[dreg:$0x5] =	wrdreg s24  }
0xb4: {  	[dreg:$0x6] =	wrdreg $0x0  }
0xb5: {  	[dreg:$0x7] =	wrdreg $0x9  }
0xb6: {  	_ =	task.clear_ibuf [dreg:s9], $0x8FFFF;
	_ =	strace $0x90000046  }
0xb7: {  	s29 =	simm.s32 $0x9;
	_ =	strace $0x80000048  }
0xb8: {  	_ =	swait.ge [sflag:s29], $0x1  }
0xb9: {  	[sflag:s29] =	ssyncadd.s32 $0xFFFFFFFF  }
0xba: {  	_ =	strace $0x90000048  }
0xbb: {  	_ =	sfence  }
0xbc: {  	s30 =	sld [smem:$0x0];
	_ =	sdelay $0x2  }
0xbd: {  	s31 =	sshll.u32 s1, $0xD;
	s1 =	sshrl.u32 s1, $0x2  }
0xbe: {  	s3 =	sand.u32 $0x4000, s31;
	s1 =	sadd.s32 s1, s30  }
0xbf: {  	s0 =	sor.u32 s3, s0;
	s1 =	sshll.u32 s1, $0x11  }
0xc0: {  	s0 =	sor.u32 s1, s0  }
0xc1: {  	s0 =	sadd.s32 $0x8F2B, s0  }
0xc2: {  	[sflag:s0] =	ssyncadd.remote.s32 $0x1  }
0xc3: {  	_ =	sfence.sel $0xFFFF  }
0xc4: {  	[dreg:$0x0] =	wrdreg $0xFFFFFFFF;
	(pc) =	sbr.abs _section_cstart, $3  }
0xc5: {  	[dreg:$0x1] =	wrdreg $0xFFFFFFFF  }
0xc6: {  	_ =	task.clear_ibuf [dreg:s9], $0x2FFFF;
	_ =	strace $0x9FFFFFFF  }
0xc7: {  	(tm) =	ssettm $0x7FFFFFFF  }
tec
execute0_lowered:
.L_overlay_start_1:
0x0: {  	(tag) =	ssettag $0x1  }
0x1: {  	s1 =	rddreg [dreg:$0x1]  }
0x2: {  	s0 =	rddreg [dreg:$0x2]  }
0x3: {  	s2 =	srdreg.scid;
	s3 =	rddreg [dreg:$0x3]  }
0x4: {  	s4 =	rddreg [dreg:$0x4];
	s11 =	stileid.u32;
	s5 =	simm.s32 $0x0  }
0x5: {  	s30 =	simm.s32 $0x1;
	s31 =	simm.s32 $0x50;
	s28 =	simm.s32 $0x13A80  }
0x6: {  	s2 =	sand.u32 $0x1, s2;
	[smem:$0x7FF] =	sst s5;
	s25 =	smul.u32 $0x4E000, s11  }
0x7: {  	s3 =	sadd.s32 $0xE00, s3;
	s13 =	smul.u32 $0x13800, s11;
	s6 =	sshll.u32 s2, $0x4  }
0x8: {  	s19 =	smul.u32 $0x2710, s11;
	s8 =	ssub.s32 $0x2, s2;
	s6 =	sor.u32 s11, s6  }
0x9: {  	s24 =	sadd.s32 $0x138000, s4;
	s9 =	sshrl.u32 s8, $0x1;
	s7 =	smul.u32 $0x2710, s6  }
0xa: {  	_ =	strace $0x80000047;
	s6 =	smul.u32 $0x27100, s6;
	s8 =	ssub.s32 s8, s9  }
0xb: {  	s29 =	smul.u32 $0x138800, s2;
	[dreg:$0x14] =	wrdreg s24;
	s20 =	smax.u32 s8, $0x1  }
0xc: {  	s7 =	sshrl.u32 s7, $0x3;
	s6 =	sadd.s32 s1, s6;
	[dreg:$0x17] =	wrdreg s20  }
0xd: {  	s17 =	smul.u32 $0x27100, s2;
	s12 =	sadd.s32 s0, s7;
	[dreg:$0x11] =	wrdreg s6  }
0xe: {  	s2 =	smul.u32 $0x271000, s2;
	s26 =	sadd.s32 $0x9C40, s12;
	[dreg:$0xd] =	wrdreg s12  }
0xf: {  	s15 =	sadd.s32 s13, s29;
	s10 =	sadd.s32 $0xA, s12;
	[dreg:$0xe] =	wrdreg s26  }
0x10: {  	s6 =	sshrl.u32 s15, $0x3;
	s12 =	sadd.s32 $0x9C4A, s12;
	[dreg:$0xf] =	wrdreg s10  }
0x11: {  	s7 =	sshrl.u32 s25, $0x2;
	s6 =	sadd.s32 s3, s6;
	[dreg:$0x10] =	wrdreg s12  }
0x12: {  	s16 =	sshrl.u32 s29, $0x3;
	s18 =	sadd.s32 s7, s4;
	[dreg:$0x15] =	wrdreg s6  }
0x13: {  	s3 =	sadd.s32 s3, s16;
	s14 =	sadd.s32 $0x11800, s18;
	[dreg:$0x12] =	wrdreg s18  }
0x14: {  	p0 =	sne.s32 s11, $0xF;
	s3 =	sadd.s32 $0x27000, s3;
	[dreg:$0x13] =	wrdreg s14  }
0x15: {  	s1 =	sadd.s32 s2, s1;
	s21 =	sadd.s32 $0x2800, s18;
	[dreg:$0x16] =	wrdreg s3  }
0x16: {  	s25 =	smul.u32 $0x27100, s11;
	s22 =	sadd.s32 $0x5000, s18;
	[dreg:$0x18] =	wrdreg s21  }
0x17: {  	s11 =	simm.s32 $0x0;
	s23 =	sadd.s32 $0x7800, s18;
	[dreg:$0x19] =	wrdreg s22  }
0x18: {  	s29 =	sadd.s32 $0xA000, s18;
	s1 =	sadd.s32 s25, s1;
	[dreg:$0x1a] =	wrdreg s23  }
0x19: {  	s20 =	sadd.s32 $0xC800, s18;
	s3 =	sadd.s32 s19, s17;
	[dreg:$0x1b] =	wrdreg s29  }
0x1a: {  	[dreg:$0x1c] =	wrdreg s20;
	s23 =	sadd.s32 $0xF000, s18;
	s1 =	sadd.s32 $0x1400, s1  }
0x1b: {  	s20 =	simm.s32 $0x6;
	s26 =	sadd.s32 $0x4E340, s3;
	s8 =	sadd.s32 $0x190, s3  }
0x1c: {  	s10 =	sadd.s32 $0x4E390, s3;
	s12 =	sadd.s32 $0xF0, s3;
	s16 =	sadd.s32 $0x4E2F0, s3  }
0x1d: {  	s19 =	sadd.s32 $0xA0, s3;
	s22 =	sadd.s32 $0x4E2A0, s3;
	[dreg:$0x1d] =	wrdreg s23  }
0x1e: {  	[dreg:$0x1e] =	wrdreg s1;
	s7 =	sshrl.u32 s26, $0x3;
	s9 =	sshrl.u32 s8, $0x3  }
0x1f: {  	s6 =	sshrl.u32 s10, $0x3;
	s14 =	sshrl.u32 s12, $0x3;
	s17 =	sshrl.u32 s16, $0x3  }
0x20: {  	s25 =	sshrl.u32 s22, $0x3;
	s26 =	sadd.s32 $0x140, s3;
	s8 =	simm.s32 $0x13880  }
0x21: {  	s10 =	simm.s32 $0x13900;
	s3 =	simm.s32 $0x18C80;
	s12 =	simm.s32 $0x5  }
0x22: {  	s16 =	simm.s32 $0x1B480;
	s22 =	simm.s32 $0x3;
	s2 =	sadd.s32 s7, s0  }
0x23: {  	s13 =	sadd.s32 s6, s0;
	s15 =	sadd.s32 s14, s0;
	s6 =	sshrl.u32 s19, $0x3  }
0x24: {  	[dreg:$0x1f] =	wrdreg s26;
	s29 =	sadd.s32 s25, s0;
	s19 =	simm.s32 $0x13A00  }
0x25: {  	s7 =	simm.s32 $0x16480;
	s25 =	simm.s32 $0xB;
	[dreg:$0x6] =	wrdreg s2  }
0x26: {  	s26 =	simm.s32 $0x13B00;
	s14 =	simm.s32 $0x7;
	[dreg:$0x8] =	wrdreg s13  }
0x27: {  	s2 =	sadd.s32 s9, s0;
	[dreg:$0x9] =	wrdreg s15;
	s21 =	sadd.s32 s6, s0  }
0x28: {  	[dreg:$0xc] =	wrdreg s29;
	s9 =	simm.s32 $0x13980;
	s15 =	simm.s32 $0x2  }
0x29: {  	s6 =	simm.s32 $0xA;
	s13 =	simm.s32 $0x4;
	[dreg:$0x7] =	wrdreg s2  }
0x2a: {  	s2 =	sadd.s32 s17, s0;
	[dreg:$0xb] =	wrdreg s21;
	s17 =	simm.s32 $0x9  }
0x2b: {  	v0 =	vimm.f32 $0.0e+00;
	s21 =	simm.s32 $0x8;
	[dreg:$0xa] =	wrdreg s2;
	s2 =	simm.s32 $0x13C80  }
.LBB2_1:
0x2c: {  	[smem:$0x7FD] =	sst s11  }
0x2d: {  	s1 =	rddreg [dreg:$0xd]  }
0x2e: {  	[tilespmem:s8], [sflag:$0x1] =	stream.linear.gather [hbm4b:s1+s5], $0x50, $0x38;
	[tilespmem:$0x1DC80] =	vst v63  }
0x2f: {  	s23 =	rddreg [dreg:$0xe]  }
0x30: {  	[tilespmem:s10], [sflag:$0x1] =	stream.linear.gather [hbm4b:s23+s5], $0x50, $0x38;
	[tilespmem:$0x1DC80] =	vst v63  }
0x31: {  	s29 =	rddreg [dreg:$0xf];
	s11 =	sand.u32 $0xFE00, s5  }
0x32: {  	[tilespmem:s9], [sflag:$0x2] =	stream.linear.gather [hbm4b:s29+s5], $0x50, $0x38;
	[tilespmem:$0x1DC80] =	vst v63  }
0x33: {  	s8 =	rddreg [dreg:$0x10];
	s23 =	sand.u32 $0x70, s5;
	s29 =	sshrl.u32 s11, $0x2  }
0x34: {  	[tilespmem:s19], [sflag:$0x2] =	stream.linear.gather [hbm4b:s8+s5], $0x50, $0x38;
	[tilespmem:$0x1DC80] =	vst v63  }
0x35: {  	s1 =	simm.s32 $0x40;
	s11 =	sor.u32 s23, s29;
	s8 =	simm.s32 $0x0  }
.LBB2_2:
0x36: {  	p1 =	sne.s32 s1, $0x9FC0  }
0x37: {  	[tilespmem:s11+$0x16480] =	vst v0;
	s8 =	sadd.s32 $0x10, s8;
	s11 =	smov.u32 s1;
	s1 =	sadd.s32 $0x40, s1  }
.Ltmp0:
0x38: {  	(pc) =	sbr.rel @p1 .LBB2_2-.Ltmp0, $4  }
0x39: {  	_ = 	snop  }
0x3a: {  	s11 =	sand.u32 $0xFE00, s11  }
0x3b: {  	s23 =	sand.u32 $0x70, s8;
	s11 =	sshrl.u32 s11, $0x2  }
0x3c: {  	s11 =	sor.u32 s23, s11  }
0x3d: {  	[tilespmem:s11+$0x16480] =	vst v0  }
0x3e: {  	_ =	swait.ge [sflag:s30], $0x50  }
0x3f: {  	[sflag:s30] =	ssyncset.done $0x0  }
0x40: {  	[sflag:s30] =	ssyncadd.s32 $0xFFFFFFB0  }
0x41: {  	_ =	swait.ge [sflag:s30], $0x50  }
0x42: {  	[sflag:s30] =	ssyncset.done $0x0  }
0x43: {  	[sflag:s30] =	ssyncadd.s32 $0xFFFFFFB0  }
0x44: {  	s1 =	simm.s32 $0x13880;
	s29 =	rddreg [dreg:$0x0]  }
0x45: {  	[tilespmem:s2], [sflag:$0x5] =	stream.indirect.gather [hbm4b:s29+s31], $0x80, s1, s31, $0xb8;
	[tilespmem:$0x1DC80] =	vst v63  }
0x46: {  	s8 =	rddreg [dreg:$0x11]  }
0x47: {  	[tilespmem:s3], [sflag:$0x7] =	stream.linear.gather [hbm4b:s8+s5], $0x2800, $0x38;
	[tilespmem:$0x1DC80] =	vst v63  }
0x48: {  	_ = 	snop  }
0x49: {  	[spmem:s18] =	stream.linear.scatter [tilespmem:s7], [sflag:$0xB], $0x2800, $0x38;
	[tilespmem:$0x1DC80] =	vst v63  }
0x4a: {  	_ =	swait.ge [sflag:s25], $0x2800  }
0x4b: {  	[sflag:s25] =	ssyncset.done $0x0  }
0x4c: {  	s11 =	rddreg [dreg:$0x18];
	[sflag:s25] =	ssyncadd.s32 $0xFFFFD800  }
0x4d: {  	[spmem:s11] =	stream.linear.scatter [tilespmem:s7], [sflag:$0xB], $0x2800, $0x38;
	[tilespmem:$0x1DC80] =	vst v63  }
0x4e: {  	_ =	swait.ge [sflag:s25], $0x2800  }
0x4f: {  	[sflag:s25] =	ssyncset.done $0x0  }
0x50: {  	s18 =	rddreg [dreg:$0x19];
	[sflag:s25] =	ssyncadd.s32 $0xFFFFD800  }
0x51: {  	[spmem:s18] =	stream.linear.scatter [tilespmem:s7], [sflag:$0xB], $0x2800, $0x38;
	[tilespmem:$0x1DC80] =	vst v63  }
0x52: {  	_ =	swait.ge [sflag:s25], $0x2800  }
0x53: {  	[sflag:s25] =	ssyncset.done $0x0  }
0x54: {  	s23 =	rddreg [dreg:$0x1a];
	[sflag:s25] =	ssyncadd.s32 $0xFFFFD800  }
0x55: {  	[spmem:s23] =	stream.linear.scatter [tilespmem:s7], [sflag:$0xB], $0x2800, $0x38;
	[tilespmem:$0x1DC80] =	vst v63  }
0x56: {  	_ =	swait.ge [sflag:s25], $0x2800  }
0x57: {  	[sflag:s25] =	ssyncset.done $0x0  }
0x58: {  	s8 =	rddreg [dreg:$0x1b];
	[sflag:s25] =	ssyncadd.s32 $0xFFFFD800  }
0x59: {  	[spmem:s8] =	stream.linear.scatter [tilespmem:s7], [sflag:$0xB], $0x2800, $0x38;
	[tilespmem:$0x1DC80] =	vst v63  }
0x5a: {  	_ =	swait.ge [sflag:s25], $0x2800  }
0x5b: {  	[sflag:s25] =	ssyncset.done $0x0  }
0x5c: {  	s11 =	rddreg [dreg:$0x1c];
	[sflag:s25] =	ssyncadd.s32 $0xFFFFD800  }
0x5d: {  	[spmem:s11] =	stream.linear.scatter [tilespmem:s7], [sflag:$0xB], $0x2800, $0x38;
	[tilespmem:$0x1DC80] =	vst v63  }
0x5e: {  	_ =	swait.ge [sflag:s25], $0x2800  }
0x5f: {  	[sflag:s25] =	ssyncset.done $0x0  }
0x60: {  	s18 =	rddreg [dreg:$0x1d];
	[sflag:s25] =	ssyncadd.s32 $0xFFFFD800  }
0x61: {  	[spmem:s18] =	stream.linear.scatter [tilespmem:s7], [sflag:$0xB], $0x2800, $0x38;
	[tilespmem:$0x1DC80] =	vst v63  }
0x62: {  	_ =	swait.ge [sflag:s25], $0x2800  }
0x63: {  	[sflag:s25] =	ssyncset.done $0x0  }
0x64: {  	s23 =	rddreg [dreg:$0x13];
	[sflag:s25] =	ssyncadd.s32 $0xFFFFD800  }
0x65: {  	[spmem:s23] =	stream.linear.scatter [tilespmem:s7], [sflag:$0xB], $0x2000, $0x38;
	[tilespmem:$0x1DC80] =	vst v63  }
0x66: {  	_ =	swait.ge [sflag:s25], $0x2000  }
0x67: {  	[sflag:s25] =	ssyncset.done $0x0  }
0x68: {  	s1 =	simm.s32 @!p0 $0x16480;
	[sflag:s25] =	ssyncadd.s32 $0xFFFFE000  }
0x69: {  	[spmem:s24] =	stream.linear.scatter @!p0 [tilespmem:s1], [sflag:$0xB], $0x800, $0x38;
	[tilespmem:$0x1DC80] =	vst v63  }
0x6a: {  	s1 =	simm.s32 @!p0 $0xB  }
0x6b: {  	_ =	swait.ge @!p0 [sflag:s1], $0x800  }
0x6c: {  	p1 =	por $0x1, $0x1;
	[sflag:s1] =	ssyncset.done @!p0 $0x0  }
0x6d: {  	p1 =	por p1, p1;
	[sflag:s1] =	ssyncadd.s32 @!p0 $0xFFFFF800  }
0x6e: {  	s1 =	simm.s32 @!p1 $0xA;
	[bflag:$0x0] =	sbarrier.arrive $0xFFFF  }
0x6f: {  	_ =	swait.ge @!p1 [sflag:s1], $0x2800  }
0x70: {  	[sflag:s1] =	ssyncset.done @!p1 $0x0  }
0x71: {  	[sflag:s1] =	ssyncadd.s32 @!p1 $0xFFFFD800  }
0x72: {  	_ =	swait.ge @!p1 [sflag:s1], $0x2800  }
0x73: {  	s8 =	rddreg [dreg:$0xb];
	[sflag:s1] =	ssyncset.done @!p1 $0x0  }
0x74: {  	s25 =	rddreg [dreg:$0xc];
	[sflag:s1] =	ssyncadd.s32 @!p1 $0xFFFFD800;
	s8 =	sadd.s32 $0x0, s8  }
0x75: {  	[tilespmem:s28], [sflag:$0x3] =	stream.linear.gather [hbm4b:s8+s5], $0x50, $0x38;
	[tilespmem:$0x1DC80] =	vst v63  }
0x76: {  	s18 =	sadd.s32 $0x0, s25  }
0x77: {  	[tilespmem:s26], [sflag:$0x3] =	stream.linear.gather [hbm4b:s18+s5], $0x50, $0x38;
	[tilespmem:$0x1DC80] =	vst v63  }
0x78: {  	_ =	swait.ge [sflag:s12], $0x2800  }
0x79: {  	[sflag:s12] =	ssyncset.done $0x0  }
0x7a: {  	[sflag:s12] =	ssyncadd.s32 $0xFFFFD800  }
0x7b: {  	_ =	swait.ge [sflag:s14], $0x2800  }
0x7c: {  	[sflag:s14] =	ssyncset.done $0x0  }
0x7d: {  	[sflag:s14] =	ssyncadd.s32 $0xFFFFD800  }
0x7e: {  	_ =	swait.ge [sflag:s15], $0x50  }
0x7f: {  	[sflag:s15] =	ssyncset.done $0x0  }
0x80: {  	[sflag:s15] =	ssyncadd.s32 $0xFFFFFFB0  }
0x81: {  	_ =	swait.ge [sflag:s15], $0x50  }
0x82: {  	[sflag:s15] =	ssyncset.done $0x0  }
0x83: {  	[sflag:s15] =	ssyncadd.s32 $0xFFFFFFB0  }
0x84: {  	[tilespmem:s7], [sflag:$0x6] =	stream.indirect.gather [hbm4b:s29+s31], $0x80, s9, s31, $0xb8;
	[tilespmem:$0x1DC80] =	vst v63  }
0x85: {  	s9 =	rddreg [dreg:$0x1e]  }
0x86: {  	s23 =	sadd.s32 $0xFFFFF100, s9  }
0x87: {  	[tilespmem:s16], [sflag:$0x8] =	stream.linear.gather [hbm4b:s23+s5], $0x2800, $0x38;
	[tilespmem:$0x1DC80] =	vst v63  }
0x88: {  	_ = 	snop  }
0x89: {  	[spmem:s4] =	stream.indirect.scatter.add.f32 [tilespmem:s2], [sflag:$0x9], $0x80, s10, s31, $0xb8;
	[tilespmem:$0x1DC80] =	vst v63  }
0x8a: {  	_ = 	snop  }
0x8b: {  	[spmem:s4] =	stream.indirect.scatter.add.f32 [tilespmem:s3], [sflag:$0x9], $0x80, s10, s31, $0xb8;
	[tilespmem:$0x1DC80] =	vst v63  }
0x8c: {  	_ =	swait.ge [sflag:s17], $0x2800  }
0x8d: {  	[sflag:s17] =	ssyncset.done $0x0  }
0x8e: {  	[sflag:s17] =	ssyncadd.s32 $0xFFFFD800  }
0x8f: {  	_ =	swait.ge [sflag:s17], $0x2800  }
0x90: {  	s11 =	simm.s32 $0x13B80;
	s24 =	rddreg [dreg:$0x9];
	[sflag:s17] =	ssyncset.done $0x0  }
0x91: {  	s25 =	rddreg [dreg:$0xa];
	[sflag:s17] =	ssyncadd.s32 $0xFFFFD800;
	s1 =	sadd.s32 $0x0, s24  }
0x92: {  	[tilespmem:s11], [sflag:$0x4] =	stream.linear.gather [hbm4b:s1+s5], $0x50, $0x38;
	[tilespmem:$0x1DC80] =	vst v63  }
0x93: {  	s18 =	sadd.s32 $0x0, s25;
	s25 =	simm.s32 $0x13C00  }
0x94: {  	[tilespmem:s25], [sflag:$0x4] =	stream.linear.gather [hbm4b:s18+s5], $0x50, $0x38;
	[tilespmem:$0x1DC80] =	vst v63  }
0x95: {  	_ =	swait.ge [sflag:s20], $0x2800  }
0x96: {  	[sflag:s20] =	ssyncset.done $0x0  }
0x97: {  	[sflag:s20] =	ssyncadd.s32 $0xFFFFD800  }
0x98: {  	_ =	swait.ge [sflag:s21], $0x2800  }
0x99: {  	[sflag:s21] =	ssyncset.done $0x0  }
0x9a: {  	[sflag:s21] =	ssyncadd.s32 $0xFFFFD800  }
0x9b: {  	_ =	swait.ge [sflag:s22], $0x50  }
0x9c: {  	[sflag:s22] =	ssyncset.done $0x0  }
0x9d: {  	[sflag:s22] =	ssyncadd.s32 $0xFFFFFFB0  }
0x9e: {  	_ =	swait.ge [sflag:s22], $0x50  }
0x9f: {  	[sflag:s22] =	ssyncset.done $0x0  }
0xa0: {  	[sflag:s22] =	ssyncadd.s32 $0xFFFFFFB0  }
0xa1: {  	[tilespmem:s2], [sflag:$0x5] =	stream.indirect.gather [hbm4b:s29+s31], $0x80, s28, s31, $0xb8;
	[tilespmem:$0x1DC80] =	vst v63  }
0xa2: {  	s23 =	sadd.s32 $0xFFFFF600, s9  }
0xa3: {  	[tilespmem:s3], [sflag:$0x7] =	stream.linear.gather [hbm4b:s23+s5], $0x2800, $0x38;
	[tilespmem:$0x1DC80] =	vst v63  }
0xa4: {  	_ = 	snop  }
0xa5: {  	[spmem:s4] =	stream.indirect.scatter.add.f32 [tilespmem:s7], [sflag:$0xA], $0x80, s19, s31, $0xb8;
	[tilespmem:$0x1DC80] =	vst v63  }
0xa6: {  	_ = 	snop  }
0xa7: {  	[spmem:s4] =	stream.indirect.scatter.add.f32 [tilespmem:s16], [sflag:$0xA], $0x80, s19, s31, $0xb8;
	[tilespmem:$0x1DC80] =	vst v63  }
0xa8: {  	_ =	swait.ge [sflag:s6], $0x2800  }
0xa9: {  	[sflag:s6] =	ssyncset.done $0x0  }
0xaa: {  	[sflag:s6] =	ssyncadd.s32 $0xFFFFD800  }
0xab: {  	_ =	swait.ge [sflag:s6], $0x2800  }
0xac: {  	s18 =	rddreg [dreg:$0x1f]  }
0xad: {  	s19 =	simm.s32 $0x13880;
	[sflag:s6] =	ssyncset.done $0x0;
	s24 =	sshrl.u32 s18, $0x3  }
0xae: {  	s28 =	rddreg [dreg:$0x6];
	[sflag:s6] =	ssyncadd.s32 $0xFFFFD800;
	s1 =	sadd.s32 s0, s24  }
0xaf: {  	[tilespmem:s19], [sflag:$0x1] =	stream.linear.gather [hbm4b:s1+s5], $0x50, $0x38;
	[tilespmem:$0x1DC80] =	vst v63  }
0xb0: {  	s24 =	sadd.s32 $0x0, s28  }
0xb1: {  	[tilespmem:s10], [sflag:$0x1] =	stream.linear.gather [hbm4b:s24+s5], $0x50, $0x38;
	[tilespmem:$0x1DC80] =	vst v63  }
0xb2: {  	_ =	swait.ge [sflag:s12], $0x2800  }
0xb3: {  	[sflag:s12] =	ssyncset.done $0x0  }
0xb4: {  	[sflag:s12] =	ssyncadd.s32 $0xFFFFD800  }
0xb5: {  	_ =	swait.ge [sflag:s14], $0x2800  }
0xb6: {  	[sflag:s14] =	ssyncset.done $0x0  }
0xb7: {  	[sflag:s14] =	ssyncadd.s32 $0xFFFFD800  }
0xb8: {  	_ =	swait.ge [sflag:s13], $0x50  }
0xb9: {  	[sflag:s13] =	ssyncset.done $0x0  }
0xba: {  	[sflag:s13] =	ssyncadd.s32 $0xFFFFFFB0  }
0xbb: {  	_ =	swait.ge [sflag:s13], $0x50  }
0xbc: {  	[sflag:s13] =	ssyncset.done $0x0  }
0xbd: {  	[sflag:s13] =	ssyncadd.s32 $0xFFFFFFB0  }
0xbe: {  	[tilespmem:s7], [sflag:$0x6] =	stream.indirect.gather [hbm4b:s29+s31], $0x80, s11, s31, $0xb8;
	[tilespmem:$0x1DC80] =	vst v63  }
0xbf: {  	s28 =	sadd.s32 $0xFFFFFB00, s9  }
0xc0: {  	[tilespmem:s16], [sflag:$0x8] =	stream.linear.gather [hbm4b:s28+s5], $0x2800, $0x38;
	[tilespmem:$0x1DC80] =	vst v63  }
0xc1: {  	_ = 	snop  }
0xc2: {  	[spmem:s4] =	stream.indirect.scatter.add.f32 [tilespmem:s2], [sflag:$0x9], $0x80, s26, s31, $0xb8;
	[tilespmem:$0x1DC80] =	vst v63  }
0xc3: {  	_ = 	snop  }
0xc4: {  	[spmem:s4] =	stream.indirect.scatter.add.f32 [tilespmem:s3], [sflag:$0x9], $0x80, s26, s31, $0xb8;
	[tilespmem:$0x1DC80] =	vst v63  }
0xc5: {  	_ =	swait.ge [sflag:s17], $0x2800  }
0xc6: {  	[sflag:s17] =	ssyncset.done $0x0  }
0xc7: {  	p1 =	por $0x0, $0x0;
	[sflag:s17] =	ssyncadd.s32 $0xFFFFD800  }
0xc8: {  	s23 =	simm.s32 @!p1 $0x13980;
	_ =	swait.ge [sflag:s17], $0x2800  }
0xc9: {  	s11 =	simm.s32 @!p1 $0x0;
	s1 =	rddreg [dreg:$0x7];
	[sflag:s17] =	ssyncset.done $0x0  }
0xca: {  	s8 =	rddreg [dreg:$0x8];
	[sflag:s17] =	ssyncadd.s32 $0xFFFFD800;
	s1 =	sadd.s32 @!p1 $0x0, s1  }
0xcb: {  	[tilespmem:s23], [sflag:$0x2] =	stream.linear.gather @!p1 [hbm4b:s1+s11], $0x50, $0x38;
	[tilespmem:$0x1DC80] =	vst v63  }
0xcc: {  	s8 =	sadd.s32 @!p1 $0x0, s8;
	s1 =	simm.s32 @!p1 $0x13A00  }
0xcd: {  	[tilespmem:s1], [sflag:$0x2] =	stream.linear.gather @!p1 [hbm4b:s8+s11], $0x50, $0x38;
	[tilespmem:$0x1DC80] =	vst v63  }
0xce: {  	_ =	swait.ge [sflag:s20], $0x2800  }
0xcf: {  	[sflag:s20] =	ssyncset.done $0x0  }
0xd0: {  	[sflag:s20] =	ssyncadd.s32 $0xFFFFD800  }
0xd1: {  	_ =	swait.ge [sflag:s21], $0x2800  }
0xd2: {  	[sflag:s21] =	ssyncset.done $0x0  }
0xd3: {  	[sflag:s21] =	ssyncadd.s32 $0xFFFFD800  }
0xd4: {  	_ =	swait.ge [sflag:s30], $0x50  }
0xd5: {  	[sflag:s30] =	ssyncset.done $0x0  }
0xd6: {  	[sflag:s30] =	ssyncadd.s32 $0xFFFFFFB0  }
0xd7: {  	_ =	swait.ge [sflag:s30], $0x50  }
0xd8: {  	p6 =	por $0x0, $0x0;
	s0 =	simm.s32 $0x13A80;
	[sflag:s30] =	ssyncset.done $0x0  }
0xd9: {  	s24 =	sadd.s32 $0x140, s18;
	s18 =	smov.u32 s29;
	[sflag:s30] =	ssyncadd.s32 $0xFFFFFFB0  }
0xda: {  	[tilespmem:s2], [sflag:$0x5] =	stream.indirect.gather [hbm4b:s29+s31], $0x80, s19, s31, $0xb8;
	[tilespmem:$0x1DC80] =	vst v63  }
0xdb: {  	s10 =	simm.s32 $0x13900;
	s26 =	simm.s32 $0x13B00;
	s23 =	simm.s32 $0x28  }
0xdc: {  	[tilespmem:s3], [sflag:$0x7] =	stream.linear.gather [hbm4b:s9+s5], $0x2800, $0x38;
	[tilespmem:$0x1DC80] =	vst v63  }
0xdd: {  	s8 =	simm.s32 $0x50;
	p1 =	por p6, p6;
	s11 =	sadd.s32 $0x1400, s9  }
0xde: {  	[spmem:s4] =	stream.indirect.scatter.add.f32 [tilespmem:s7], [sflag:$0xA], $0x80, s25, s31, $0xb8;
	[tilespmem:$0x1DC80] =	vst v63  }
.LBB2_4:
0xdf: {  	s28 =	simm.s32 @!p1 $0xA  }
0xe0: {  	[spmem:s4] =	stream.indirect.scatter.add.f32 [tilespmem:s16], [sflag:$0xA], $0x80, s25, s31, $0xb8;
	[tilespmem:$0x1DC80] =	vst v63  }
0xe1: {  	_ =	swait.ge @!p1 [sflag:s28], $0x2800  }
0xe2: {  	[sflag:s28] =	ssyncset.done @!p1 $0x0  }
0xe3: {  	[sflag:s28] =	ssyncadd.s32 @!p1 $0xFFFFD800  }
0xe4: {  	_ =	swait.ge @!p1 [sflag:s28], $0x2800  }
0xe5: {  	s19 =	rddreg [dreg:$0xb];
	[sflag:s28] =	ssyncset.done @!p1 $0x0  }
0xe6: {  	s29 =	rddreg [dreg:$0xc];
	[sflag:s28] =	ssyncadd.s32 @!p1 $0xFFFFD800;
	s25 =	sadd.s32 s23, s19  }
0xe7: {  	[tilespmem:s0], [sflag:$0x3] =	stream.linear.gather [hbm4b:s25+s5], $0x50, $0x38;
	[tilespmem:$0x1DC80] =	vst v63  }
0xe8: {  	s19 =	sadd.s32 s23, s29  }
0xe9: {  	[tilespmem:s26], [sflag:$0x3] =	stream.linear.gather [hbm4b:s19+s5], $0x50, $0x38;
	[tilespmem:$0x1DC80] =	vst v63  }
0xea: {  	_ =	swait.ge [sflag:s12], $0x2800  }
0xeb: {  	[sflag:s12] =	ssyncset.done $0x0  }
0xec: {  	[sflag:s12] =	ssyncadd.s32 $0xFFFFD800  }
0xed: {  	_ =	swait.ge [sflag:s14], $0x2800  }
0xee: {  	[sflag:s14] =	ssyncset.done $0x0  }
0xef: {  	[sflag:s14] =	ssyncadd.s32 $0xFFFFD800  }
0xf0: {  	_ =	swait.ge [sflag:s15], $0x50  }
0xf1: {  	[sflag:s15] =	ssyncset.done $0x0  }
0xf2: {  	[sflag:s15] =	ssyncadd.s32 $0xFFFFFFB0  }
0xf3: {  	_ =	swait.ge [sflag:s15], $0x50  }
0xf4: {  	[sflag:s15] =	ssyncset.done $0x0  }
0xf5: {  	s19 =	simm.s32 $0x13980;
	[sflag:s15] =	ssyncadd.s32 $0xFFFFFFB0  }
0xf6: {  	[tilespmem:s7], [sflag:$0x6] =	stream.indirect.gather [hbm4b:s18+s31], $0x80, s19, s31, $0xb8;
	[tilespmem:$0x1DC80] =	vst v63  }
0xf7: {  	s28 =	sadd.s32 $0xFFFFF100, s11  }
0xf8: {  	[tilespmem:s16], [sflag:$0x8] =	stream.linear.gather [hbm4b:s28+s5], $0x2800, $0x38;
	[tilespmem:$0x1DC80] =	vst v63  }
0xf9: {  	_ = 	snop  }
0xfa: {  	[spmem:s4] =	stream.indirect.scatter.add.f32 [tilespmem:s2], [sflag:$0x9], $0x80, s10, s31, $0xb8;
	[tilespmem:$0x1DC80] =	vst v63  }
0xfb: {  	_ = 	snop  }
0xfc: {  	[spmem:s4] =	stream.indirect.scatter.add.f32 [tilespmem:s3], [sflag:$0x9], $0x80, s10, s31, $0xb8;
	[tilespmem:$0x1DC80] =	vst v63  }
0xfd: {  	_ =	swait.ge [sflag:s17], $0x2800  }
0xfe: {  	[sflag:s17] =	ssyncset.done $0x0  }
0xff: {  	[sflag:s17] =	ssyncadd.s32 $0xFFFFD800  }
0x100: {  	_ =	swait.ge [sflag:s17], $0x2800  }
0x101: {  	s29 =	rddreg [dreg:$0x9]  }
0x102: {  	[sflag:s17] =	ssyncset.done $0x0;
	s19 =	rddreg [dreg:$0xa]  }
0x103: {  	[sflag:s17] =	ssyncadd.s32 $0xFFFFD800;
	s25 =	sadd.s32 s23, s29;
	s29 =	simm.s32 $0x13B80  }
0x104: {  	[tilespmem:s29], [sflag:$0x4] =	stream.linear.gather [hbm4b:s25+s5], $0x50, $0x38;
	[tilespmem:$0x1DC80] =	vst v63  }
0x105: {  	s9 =	simm.s32 $0x13C00;
	s28 =	sadd.s32 s23, s19  }
0x106: {  	[tilespmem:s9], [sflag:$0x4] =	stream.linear.gather [hbm4b:s28+s5], $0x50, $0x38;
	[tilespmem:$0x1DC80] =	vst v63  }
0x107: {  	_ =	swait.ge [sflag:s20], $0x2800  }
0x108: {  	[sflag:s20] =	ssyncset.done $0x0  }
0x109: {  	[sflag:s20] =	ssyncadd.s32 $0xFFFFD800  }
0x10a: {  	_ =	swait.ge [sflag:s21], $0x2800  }
0x10b: {  	[sflag:s21] =	ssyncset.done $0x0  }
0x10c: {  	[sflag:s21] =	ssyncadd.s32 $0xFFFFD800  }
0x10d: {  	_ =	swait.ge [sflag:s22], $0x50  }
0x10e: {  	[sflag:s22] =	ssyncset.done $0x0  }
0x10f: {  	[sflag:s22] =	ssyncadd.s32 $0xFFFFFFB0  }
0x110: {  	_ =	swait.ge [sflag:s22], $0x50  }
0x111: {  	[sflag:s22] =	ssyncset.done $0x0  }
0x112: {  	[sflag:s22] =	ssyncadd.s32 $0xFFFFFFB0  }
0x113: {  	[tilespmem:s2], [sflag:$0x5] =	stream.indirect.gather [hbm4b:s18+s31], $0x80, s0, s31, $0xb8;
	[tilespmem:$0x1DC80] =	vst v63  }
0x114: {  	s19 =	sadd.s32 $0xFFFFF600, s11  }
0x115: {  	[tilespmem:s3], [sflag:$0x7] =	stream.linear.gather [hbm4b:s19+s5], $0x2800, $0x38;
	[tilespmem:$0x1DC80] =	vst v63  }
0x116: {  	s28 =	simm.s32 $0x13A00  }
0x117: {  	[spmem:s4] =	stream.indirect.scatter.add.f32 [tilespmem:s7], [sflag:$0xA], $0x80, s28, s31, $0xb8;
	[tilespmem:$0x1DC80] =	vst v63  }
0x118: {  	_ = 	snop  }
0x119: {  	[spmem:s4] =	stream.indirect.scatter.add.f32 [tilespmem:s16], [sflag:$0xA], $0x80, s28, s31, $0xb8;
	[tilespmem:$0x1DC80] =	vst v63  }
0x11a: {  	_ =	swait.ge [sflag:s6], $0x2800  }
0x11b: {  	[sflag:s6] =	ssyncset.done $0x0  }
0x11c: {  	[sflag:s6] =	ssyncadd.s32 $0xFFFFD800  }
0x11d: {  	_ =	swait.ge [sflag:s6], $0x2800  }
0x11e: {  	[sflag:s6] =	ssyncset.done $0x0  }
0x11f: {  	[sflag:s6] =	ssyncadd.s32 $0xFFFFD800  }
0x120: {  	s9 =	sshrl.u32 s24, $0x3;
	s19 =	rddreg [dreg:$0x2]  }
0x121: {  	s28 =	rddreg [dreg:$0x6];
	s25 =	sadd.s32 s19, s9;
	s19 =	simm.s32 $0x13880  }
0x122: {  	[tilespmem:s19], [sflag:$0x1] =	stream.linear.gather [hbm4b:s25+s5], $0x50, $0x38;
	[tilespmem:$0x1DC80] =	vst v63  }
0x123: {  	s28 =	sadd.s32 s23, s28  }
0x124: {  	[tilespmem:s10], [sflag:$0x1] =	stream.linear.gather [hbm4b:s28+s5], $0x50, $0x38;
	[tilespmem:$0x1DC80] =	vst v63  }
0x125: {  	_ =	swait.ge [sflag:s12], $0x2800  }
0x126: {  	[sflag:s12] =	ssyncset.done $0x0  }
0x127: {  	[sflag:s12] =	ssyncadd.s32 $0xFFFFD800  }
0x128: {  	_ =	swait.ge [sflag:s14], $0x2800  }
0x129: {  	[sflag:s14] =	ssyncset.done $0x0  }
0x12a: {  	[sflag:s14] =	ssyncadd.s32 $0xFFFFD800  }
0x12b: {  	_ =	swait.ge [sflag:s13], $0x50  }
0x12c: {  	[sflag:s13] =	ssyncset.done $0x0  }
0x12d: {  	[sflag:s13] =	ssyncadd.s32 $0xFFFFFFB0  }
0x12e: {  	_ =	swait.ge [sflag:s13], $0x50  }
0x12f: {  	[sflag:s13] =	ssyncset.done $0x0  }
0x130: {  	[sflag:s13] =	ssyncadd.s32 $0xFFFFFFB0  }
0x131: {  	[tilespmem:s7], [sflag:$0x6] =	stream.indirect.gather [hbm4b:s18+s31], $0x80, s29, s31, $0xb8;
	[tilespmem:$0x1DC80] =	vst v63  }
0x132: {  	s29 =	sadd.s32 $0xFFFFFB00, s11  }
0x133: {  	[tilespmem:s16], [sflag:$0x8] =	stream.linear.gather [hbm4b:s29+s5], $0x2800, $0x38;
	[tilespmem:$0x1DC80] =	vst v63  }
0x134: {  	_ = 	snop  }
0x135: {  	[spmem:s4] =	stream.indirect.scatter.add.f32 [tilespmem:s2], [sflag:$0x9], $0x80, s26, s31, $0xb8;
	[tilespmem:$0x1DC80] =	vst v63  }
0x136: {  	_ = 	snop  }
0x137: {  	[spmem:s4] =	stream.indirect.scatter.add.f32 [tilespmem:s3], [sflag:$0x9], $0x80, s26, s31, $0xb8;
	[tilespmem:$0x1DC80] =	vst v63  }
0x138: {  	_ =	swait.ge [sflag:s17], $0x2800  }
0x139: {  	p3 =	seq.s32 s8, $0x0;
	[sflag:s17] =	ssyncset.done $0x0  }
0x13a: {  	p1 =	por p3, p3;
	p3 =	seq.s32 s23, $0x4B0;
	[sflag:s17] =	ssyncadd.s32 $0xFFFFD800  }
0x13b: {  	s9 =	simm.s32 @!p3 $0x13980;
	_ =	swait.ge [sflag:s17], $0x2800  }
0x13c: {  	s29 =	simm.s32 @!p3 $0x0;
	s25 =	rddreg [dreg:$0x7];
	[sflag:s17] =	ssyncset.done $0x0  }
0x13d: {  	s28 =	rddreg [dreg:$0x8];
	[sflag:s17] =	ssyncadd.s32 $0xFFFFD800;
	s25 =	sadd.s32 @!p3 s23, s25  }
0x13e: {  	[tilespmem:s9], [sflag:$0x2] =	stream.linear.gather @!p3 [hbm4b:s25+s29], $0x50, $0x38;
	[tilespmem:$0x1DC80] =	vst v63  }
0x13f: {  	s18 =	simm.s32 @!p3 $0x13A00;
	s9 =	sadd.s32 @!p3 s23, s28  }
0x140: {  	[tilespmem:s18], [sflag:$0x2] =	stream.linear.gather @!p3 [hbm4b:s9+s29], $0x50, $0x38;
	[tilespmem:$0x1DC80] =	vst v63  }
0x141: {  	s18 =	rddreg [dreg:$0x0];
	_ =	swait.ge [sflag:s20], $0x2800  }
0x142: {  	[sflag:s20] =	ssyncset.done $0x0  }
0x143: {  	[sflag:s20] =	ssyncadd.s32 $0xFFFFD800  }
0x144: {  	_ =	swait.ge [sflag:s21], $0x2800  }
0x145: {  	[sflag:s21] =	ssyncset.done $0x0  }
0x146: {  	[sflag:s21] =	ssyncadd.s32 $0xFFFFD800  }
0x147: {  	_ =	swait.ge [sflag:s30], $0x50  }
0x148: {  	[sflag:s30] =	ssyncset.done $0x0  }
0x149: {  	[sflag:s30] =	ssyncadd.s32 $0xFFFFFFB0  }
0x14a: {  	_ =	swait.ge [sflag:s30], $0x50  }
0x14b: {  	s1 =	smov.u32 s8;
	s8 =	sadd.s32 $0x28, s8;
	[sflag:s30] =	ssyncset.done $0x0  }
0x14c: {  	p2 =	sne.s32 s8, $0x4D8;
	[sflag:s30] =	ssyncadd.s32 $0xFFFFFFB0  }
0x14d: {  	[tilespmem:s2], [sflag:$0x5] =	stream.indirect.gather [hbm4b:s18+s31], $0x80, s19, s31, $0xb8;
	[tilespmem:$0x1DC80] =	vst v63  }
.Ltmp1:
0x14e: {  	_ = 	snop;
	(pc) =	sbr.rel @p2 .LBB2_4-.Ltmp1, $4  }
0x14f: {  	s24 =	sadd.s32 $0x140, s24  }
0x150: {  	[tilespmem:s3], [sflag:$0x7] =	stream.linear.gather [hbm4b:s11+s5], $0x2800, $0x38;
	[tilespmem:$0x1DC80] =	vst v63  }
0x151: {  	s25 =	simm.s32 $0x13C00;
	s23 =	smov.u32 s1;
	s11 =	sadd.s32 $0x1400, s11  }
0x152: {  	[spmem:s4] =	stream.indirect.scatter.add.f32 [tilespmem:s7], [sflag:$0xA], $0x80, s25, s31, $0xb8;
	[tilespmem:$0x1DC80] =	vst v63  }
0x153: {  	s1 =	simm.s32 @!p1 $0xA  }
0x154: {  	[spmem:s4] =	stream.indirect.scatter.add.f32 [tilespmem:s16], [sflag:$0xA], $0x80, s25, s31, $0xb8;
	[tilespmem:$0x1DC80] =	vst v63  }
0x155: {  	_ =	swait.ge @!p1 [sflag:s1], $0x2800  }
0x156: {  	[sflag:s1] =	ssyncset.done @!p1 $0x0  }
0x157: {  	[sflag:s1] =	ssyncadd.s32 @!p1 $0xFFFFD800  }
0x158: {  	_ =	swait.ge @!p1 [sflag:s1], $0x2800  }
0x159: {  	s8 =	rddreg [dreg:$0xb];
	[sflag:s1] =	ssyncset.done @!p1 $0x0  }
0x15a: {  	s9 =	rddreg [dreg:$0xc];
	[sflag:s1] =	ssyncadd.s32 @!p1 $0xFFFFD800;
	s8 =	sadd.s32 s23, s8  }
0x15b: {  	[tilespmem:s0], [sflag:$0x3] =	stream.linear.gather [hbm4b:s8+s5], $0x50, $0x38;
	[tilespmem:$0x1DC80] =	vst v63  }
0x15c: {  	s19 =	sadd.s32 s23, s9  }
0x15d: {  	[tilespmem:s26], [sflag:$0x3] =	stream.linear.gather [hbm4b:s19+s5], $0x50, $0x38;
	[tilespmem:$0x1DC80] =	vst v63  }
0x15e: {  	_ =	swait.ge [sflag:s12], $0x2800  }
0x15f: {  	[sflag:s12] =	ssyncset.done $0x0  }
0x160: {  	[sflag:s12] =	ssyncadd.s32 $0xFFFFD800  }
0x161: {  	_ =	swait.ge [sflag:s14], $0x2800  }
0x162: {  	[sflag:s14] =	ssyncset.done $0x0  }
0x163: {  	[sflag:s14] =	ssyncadd.s32 $0xFFFFD800  }
0x164: {  	_ =	swait.ge [sflag:s15], $0x50  }
0x165: {  	[sflag:s15] =	ssyncset.done $0x0  }
0x166: {  	[sflag:s15] =	ssyncadd.s32 $0xFFFFFFB0  }
0x167: {  	_ =	swait.ge [sflag:s15], $0x50  }
0x168: {  	[sflag:s15] =	ssyncset.done $0x0  }
0x169: {  	s29 =	simm.s32 $0x13980;
	[sflag:s15] =	ssyncadd.s32 $0xFFFFFFB0  }
0x16a: {  	[tilespmem:s7], [sflag:$0x6] =	stream.indirect.gather [hbm4b:s18+s31], $0x80, s29, s31, $0xb8;
	[tilespmem:$0x1DC80] =	vst v63  }
0x16b: {  	s8 =	sadd.s32 $0xFFFFF100, s11  }
0x16c: {  	[tilespmem:s16], [sflag:$0x8] =	stream.linear.gather [hbm4b:s8+s5], $0x2800, $0x38;
	[tilespmem:$0x1DC80] =	vst v63  }
0x16d: {  	_ = 	snop  }
0x16e: {  	[spmem:s4] =	stream.indirect.scatter.add.f32 [tilespmem:s2], [sflag:$0x9], $0x80, s10, s31, $0xb8;
	[tilespmem:$0x1DC80] =	vst v63  }
0x16f: {  	_ = 	snop  }
0x170: {  	[spmem:s4] =	stream.indirect.scatter.add.f32 [tilespmem:s3], [sflag:$0x9], $0x80, s10, s31, $0xb8;
	[tilespmem:$0x1DC80] =	vst v63  }
0x171: {  	_ =	swait.ge [sflag:s17], $0x2800  }
0x172: {  	[sflag:s17] =	ssyncset.done $0x0  }
0x173: {  	[sflag:s17] =	ssyncadd.s32 $0xFFFFD800  }
0x174: {  	_ =	swait.ge [sflag:s17], $0x2800  }
0x175: {  	s9 =	rddreg [dreg:$0x9]  }
0x176: {  	[sflag:s17] =	ssyncset.done $0x0;
	s19 =	rddreg [dreg:$0xa]  }
0x177: {  	[sflag:s17] =	ssyncadd.s32 $0xFFFFD800;
	s1 =	sadd.s32 s23, s9;
	s9 =	simm.s32 $0x13B80  }
0x178: {  	[tilespmem:s9], [sflag:$0x4] =	stream.linear.gather [hbm4b:s1+s5], $0x50, $0x38;
	[tilespmem:$0x1DC80] =	vst v63  }
0x179: {  	s29 =	sadd.s32 s23, s19  }
0x17a: {  	[tilespmem:s25], [sflag:$0x4] =	stream.linear.gather [hbm4b:s29+s5], $0x50, $0x38;
	[tilespmem:$0x1DC80] =	vst v63  }
0x17b: {  	_ =	swait.ge [sflag:s20], $0x2800  }
0x17c: {  	[sflag:s20] =	ssyncset.done $0x0  }
0x17d: {  	[sflag:s20] =	ssyncadd.s32 $0xFFFFD800  }
0x17e: {  	_ =	swait.ge [sflag:s21], $0x2800  }
0x17f: {  	[sflag:s21] =	ssyncset.done $0x0  }
0x180: {  	[sflag:s21] =	ssyncadd.s32 $0xFFFFD800  }
0x181: {  	_ =	swait.ge [sflag:s22], $0x50  }
0x182: {  	[sflag:s22] =	ssyncset.done $0x0  }
0x183: {  	[sflag:s22] =	ssyncadd.s32 $0xFFFFFFB0  }
0x184: {  	_ =	swait.ge [sflag:s22], $0x50  }
0x185: {  	[sflag:s22] =	ssyncset.done $0x0  }
0x186: {  	[sflag:s22] =	ssyncadd.s32 $0xFFFFFFB0  }
0x187: {  	[tilespmem:s2], [sflag:$0x5] =	stream.indirect.gather [hbm4b:s18+s31], $0x80, s0, s31, $0xb8;
	[tilespmem:$0x1DC80] =	vst v63  }
0x188: {  	s8 =	sadd.s32 $0xFFFFF600, s11  }
0x189: {  	[tilespmem:s3], [sflag:$0x7] =	stream.linear.gather [hbm4b:s8+s5], $0x2800, $0x38;
	[tilespmem:$0x1DC80] =	vst v63  }
0x18a: {  	s19 =	simm.s32 $0x13A00  }
0x18b: {  	[spmem:s4] =	stream.indirect.scatter.add.f32 [tilespmem:s7], [sflag:$0xA], $0x80, s19, s31, $0xb8;
	[tilespmem:$0x1DC80] =	vst v63  }
0x18c: {  	_ = 	snop  }
0x18d: {  	[spmem:s4] =	stream.indirect.scatter.add.f32 [tilespmem:s16], [sflag:$0xA], $0x80, s19, s31, $0xb8;
	[tilespmem:$0x1DC80] =	vst v63  }
0x18e: {  	_ =	swait.ge [sflag:s6], $0x2800  }
0x18f: {  	[sflag:s6] =	ssyncset.done $0x0  }
0x190: {  	[sflag:s6] =	ssyncadd.s32 $0xFFFFD800  }
0x191: {  	_ =	swait.ge [sflag:s6], $0x2800  }
0x192: {  	[sflag:s6] =	ssyncset.done $0x0  }
0x193: {  	[sflag:s6] =	ssyncadd.s32 $0xFFFFD800  }
0x194: {  	s29 =	sshrl.u32 s24, $0x3;
	s28 =	rddreg [dreg:$0x2]  }
0x195: {  	s19 =	simm.s32 $0x13880;
	s0 =	rddreg [dreg:$0x6];
	s1 =	sadd.s32 s28, s29  }
0x196: {  	[tilespmem:s19], [sflag:$0x1] =	stream.linear.gather [hbm4b:s1+s5], $0x50, $0x38;
	[tilespmem:$0x1DC80] =	vst v63  }
0x197: {  	s8 =	sadd.s32 s23, s0  }
0x198: {  	[tilespmem:s10], [sflag:$0x1] =	stream.linear.gather [hbm4b:s8+s5], $0x50, $0x38;
	[tilespmem:$0x1DC80] =	vst v63  }
0x199: {  	_ =	swait.ge [sflag:s12], $0x2800  }
0x19a: {  	[sflag:s12] =	ssyncset.done $0x0  }
0x19b: {  	[sflag:s12] =	ssyncadd.s32 $0xFFFFD800  }
0x19c: {  	_ =	swait.ge [sflag:s14], $0x2800  }
0x19d: {  	[sflag:s14] =	ssyncset.done $0x0  }
0x19e: {  	[sflag:s14] =	ssyncadd.s32 $0xFFFFD800  }
0x19f: {  	_ =	swait.ge [sflag:s13], $0x50  }
0x1a0: {  	[sflag:s13] =	ssyncset.done $0x0  }
0x1a1: {  	[sflag:s13] =	ssyncadd.s32 $0xFFFFFFB0  }
0x1a2: {  	_ =	swait.ge [sflag:s13], $0x50  }
0x1a3: {  	[sflag:s13] =	ssyncset.done $0x0  }
0x1a4: {  	[sflag:s13] =	ssyncadd.s32 $0xFFFFFFB0  }
0x1a5: {  	[tilespmem:s7], [sflag:$0x6] =	stream.indirect.gather [hbm4b:s18+s31], $0x80, s9, s31, $0xb8;
	[tilespmem:$0x1DC80] =	vst v63  }
0x1a6: {  	s24 =	sadd.s32 $0xFFFFFB00, s11  }
0x1a7: {  	[tilespmem:s16], [sflag:$0x8] =	stream.linear.gather [hbm4b:s24+s5], $0x2800, $0x38;
	[tilespmem:$0x1DC80] =	vst v63  }
0x1a8: {  	_ = 	snop  }
0x1a9: {  	[spmem:s4] =	stream.indirect.scatter.add.f32 [tilespmem:s2], [sflag:$0x9], $0x80, s26, s31, $0xb8;
	[tilespmem:$0x1DC80] =	vst v63  }
0x1aa: {  	_ = 	snop  }
0x1ab: {  	[spmem:s4] =	stream.indirect.scatter.add.f32 [tilespmem:s3], [sflag:$0x9], $0x80, s26, s31, $0xb8;
	[tilespmem:$0x1DC80] =	vst v63  }
0x1ac: {  	_ =	swait.ge [sflag:s17], $0x2800  }
0x1ad: {  	[sflag:s17] =	ssyncset.done $0x0  }
0x1ae: {  	p1 =	seq.s32 s23, $0x4B0;
	[sflag:s17] =	ssyncadd.s32 $0xFFFFD800  }
0x1af: {  	s29 =	smov.u32 s18;
	s9 =	simm.s32 @!p1 $0x0;
	_ =	swait.ge [sflag:s17], $0x2800  }
0x1b0: {  	s18 =	simm.s32 @!p1 $0x13980;
	s1 =	rddreg [dreg:$0x7];
	[sflag:s17] =	ssyncset.done $0x0  }
0x1b1: {  	s8 =	rddreg [dreg:$0x8];
	[sflag:s17] =	ssyncadd.s32 $0xFFFFD800;
	s1 =	sadd.s32 @!p1 s23, s1  }
0x1b2: {  	[tilespmem:s18], [sflag:$0x2] =	stream.linear.gather @!p1 [hbm4b:s1+s9], $0x50, $0x38;
	[tilespmem:$0x1DC80] =	vst v63  }
0x1b3: {  	s1 =	sadd.s32 @!p1 s23, s8;
	s8 =	simm.s32 @!p1 $0x13A00  }
0x1b4: {  	[tilespmem:s8], [sflag:$0x2] =	stream.linear.gather @!p1 [hbm4b:s1+s9], $0x50, $0x38;
	[tilespmem:$0x1DC80] =	vst v63  }
0x1b5: {  	_ =	swait.ge [sflag:s20], $0x2800  }
0x1b6: {  	[sflag:s20] =	ssyncset.done $0x0  }
0x1b7: {  	[sflag:s20] =	ssyncadd.s32 $0xFFFFD800  }
0x1b8: {  	_ =	swait.ge [sflag:s21], $0x2800  }
0x1b9: {  	[sflag:s21] =	ssyncset.done $0x0  }
0x1ba: {  	[sflag:s21] =	ssyncadd.s32 $0xFFFFD800  }
0x1bb: {  	_ =	swait.ge [sflag:s30], $0x50  }
0x1bc: {  	[sflag:s30] =	ssyncset.done $0x0  }
0x1bd: {  	[sflag:s30] =	ssyncadd.s32 $0xFFFFFFB0  }
0x1be: {  	_ =	swait.ge [sflag:s30], $0x50  }
0x1bf: {  	[sflag:s30] =	ssyncset.done $0x0  }
0x1c0: {  	[sflag:s30] =	ssyncadd.s32 $0xFFFFFFB0  }
0x1c1: {  	[tilespmem:s2], [sflag:$0x5] =	stream.indirect.gather [hbm4b:s29+s31], $0x80, s19, s31, $0xb8;
	[tilespmem:$0x1DC80] =	vst v63  }
0x1c2: {  	_ = 	snop  }
0x1c3: {  	[tilespmem:s3], [sflag:$0x7] =	stream.linear.gather [hbm4b:s11+s5], $0x2800, $0x38;
	[tilespmem:$0x1DC80] =	vst v63  }
0x1c4: {  	_ = 	snop  }
0x1c5: {  	[spmem:s4] =	stream.indirect.scatter.add.f32 [tilespmem:s7], [sflag:$0xA], $0x80, s25, s31, $0xb8;
	[tilespmem:$0x1DC80] =	vst v63  }
0x1c6: {  	_ = 	snop  }
0x1c7: {  	[spmem:s4] =	stream.indirect.scatter.add.f32 [tilespmem:s16], [sflag:$0xA], $0x80, s25, s31, $0xb8;
	[tilespmem:$0x1DC80] =	vst v63  }
0x1c8: {  	_ =	swait.ge [sflag:s6], $0x2800  }
0x1c9: {  	[sflag:s6] =	ssyncset.done $0x0  }
0x1ca: {  	[sflag:s6] =	ssyncadd.s32 $0xFFFFD800  }
0x1cb: {  	_ =	swait.ge [sflag:s6], $0x2800  }
0x1cc: {  	[sflag:s6] =	ssyncset.done $0x0  }
0x1cd: {  	[sflag:s6] =	ssyncadd.s32 $0xFFFFD800  }
0x1ce: {  	_ =	swait.ge [sflag:s12], $0x2800  }
0x1cf: {  	[sflag:s12] =	ssyncset.done $0x0  }
0x1d0: {  	[sflag:s12] =	ssyncadd.s32 $0xFFFFD800  }
0x1d1: {  	_ =	swait.ge [sflag:s14], $0x2800  }
0x1d2: {  	[sflag:s14] =	ssyncset.done $0x0  }
0x1d3: {  	[sflag:s14] =	ssyncadd.s32 $0xFFFFD800  }
0x1d4: {  	[spmem:s4] =	stream.indirect.scatter.add.f32 [tilespmem:s2], [sflag:$0x9], $0x80, s10, s31, $0xb8;
	[tilespmem:$0x1DC80] =	vst v63  }
0x1d5: {  	_ = 	snop  }
0x1d6: {  	[spmem:s4] =	stream.indirect.scatter.add.f32 [tilespmem:s3], [sflag:$0x9], $0x80, s10, s31, $0xb8;
	[tilespmem:$0x1DC80] =	vst v63  }
0x1d7: {  	_ =	swait.ge [sflag:s17], $0x2800  }
0x1d8: {  	[sflag:s17] =	ssyncset.done $0x0  }
0x1d9: {  	[sflag:s17] =	ssyncadd.s32 $0xFFFFD800  }
0x1da: {  	_ =	swait.ge [sflag:s17], $0x2800  }
0x1db: {  	[sflag:s17] =	ssyncset.done $0x0  }
0x1dc: {  	[sflag:s17] =	ssyncadd.s32 $0xFFFFD800  }
0x1dd: {  	s23 =	stileid.u32;
	[bflag:$0x0] =	sbarrier.arrive $0xFFFF  }
0x1de: {  	s1 =	sshll.u32 s23, $0x6;
	s18 =	rddreg [dreg:$0x12]  }
0x1df: {  	s1 =	sor.u32 $0x1C0B, s1;
	s25 =	rddreg [dreg:$0x15];
	s24 =	sshrl.u32 s18, $0x3  }
0x1e0: {  	[hbm:s25], [sflag:s1] =	dma.local [spmem:s24], $0x2700  }
0x1e1: {  	s25 =	simm.s32 $0xB  }
0x1e2: {  	_ =	swait.ge [sflag:s25], $0x2700  }
0x1e3: {  	[sflag:s25] =	ssyncset.done $0x0;
	s24 =	rddreg [dreg:$0x14]  }
0x1e4: {  	s9 =	rddreg [dreg:$0x16];
	[sflag:s25] =	ssyncadd.s32 $0xFFFFD900;
	s8 =	sshrl.u32 @!p0 s24, $0x3  }
0x1e5: {  	[hbm:s9], [sflag:s1] =	dma.local @!p0 [spmem:s8], $0x100  }
0x1e6: {  	s1 =	simm.s32 @!p0 $0xB  }
0x1e7: {  	_ =	swait.ge @!p0 [sflag:s1], $0x100  }
0x1e8: {  	s26 =	sld [smem:$0x7FD];
	_ =	sdelay $0x2  }
0x1e9: {  	s29 =	rddreg [dreg:$0x17];
	s11 =	sadd.s32 $0x1, s26  }
0x1ea: {  	p1 =	sne.s32 s11, s29  }
.Ltmp2:
0x1eb: {  	_ = 	snop;
	(pc) =	sbr.rel @p1 .LBB2_1-.Ltmp2, $4  }
0x1ec: {  	_ = 	snop  }
0x1ed: {  	s0 =	smov.u32 s28;
	s28 =	simm.s32 $0x13A80;
	s19 =	simm.s32 $0x13A00  }
0x1ee: {  	s10 =	simm.s32 $0x13900;
	s8 =	simm.s32 $0x13880;
	[sflag:s1] =	ssyncset.done @!p0 $0x0  }
0x1ef: {  	s9 =	simm.s32 $0x13980;
	[sflag:s1] =	ssyncadd.s32 @!p0 $0xFFFFFF00;
	s26 =	simm.s32 $0x13B00  }
0x1f0: {  	_ =	sfence.sel $0x180000  }
0x1f1: {  	[bflag:$0x0] =	sbarrier.arrive $0xFFFF  }
0x1f2: {  	_ =	strace $0x90000047  }
0x1f3: {  	s0 =	stileid.u32;
	[bflag:$0x2] =	sbarrier.arrive $0xFFFF  }
0x1f4: {  	p0 =	sne.s32 s0, $0x0;
	s0 =	rddreg [dreg:$0x5]  }
0x1f5: {  	s0 =	sadd.s32 @!p0 $0x100000, s0  }
0x1f6: {  	[sflag:s0] =	ssyncadd.tile.s32 @!p0 $0x1;
	_ =	shalt  }
.Lfunc_end2:
_tile_overlayer_lowered:
.L_overlay_start_2:
0x1f7: {  	(tag) =	ssettag $0x2  }
0x1f8: {  	s0 =	rddreg [dreg:$0x0];
	s2 =	stileid.u32  }
0x1f9: {  	s1 =	rddreg [dreg:$0x1];
	p0 =	sne.s32 s2, $0x0  }
0x1fa: {  	s3 =	rddreg [dreg:$0x2];
	[bflag:$0x3] =	sbarrier.arrive $0xFFFF;
	s2 =	simm.s32 @!p0 $0x1C0B  }
0x1fb: {  	[timem:s3], [sflag:s2] =	dma.local @!p0 [hbm:s0], s1  }
0x1fc: {  	s0 =	simm.s32 @!p0 $0xB  }
0x1fd: {  	_ =	swait.ge @!p0 [sflag:s0], s1  }
0x1fe: {  	s1 =	ssub.s32 @!p0 $0x0, s1;
	[sflag:s0] =	ssyncset.done @!p0 $0x0  }
0x1ff: {  	[sflag:s0] =	ssyncadd.s32 @!p0 s1  }
0x200: {  	[bflag:$0x3] =	sbarrier.arrive $0xFFFF  }
0x201: {  	_ =	shalt  }

</sc_bundles>
